<compile_context>
chip_gen: v7x
topology: tpu7x:2x2x1
jax: 0.10.2.dev20260603
libtpu: 0.0.44.dev20260713+nightly
codegen_flags: <defaults>
</compile_context>

<pallas_src>
import functools

import jax
import jax.numpy as jnp
from jax import lax
from jax.experimental import pallas as pl
from jax.experimental.pallas import tpu as pltpu
from jax.experimental.pallas import tpu_sc as plsc

N = 10000
E = 320000
D = 128
DE = 16

NC = 2
NS = 16
NW = NC * NS
EPW = E // NW
CHUNK = 40
NCHUNK = EPW // CHUNK
NROWC = N // CHUNK


def _zero_acc(acc_sh, iota_hbm, ia_v, z_v, lo, hi):
    @pl.loop(0, hi - lo)
    def _z(i):
        o = (lo + i) * CHUNK
        pltpu.sync_copy(iota_hbm.at[pl.ds(o, CHUNK)], ia_v)
        pltpu.sync_copy(z_v, acc_sh.at[ia_v])


def _read_acc(acc_sh, iota_hbm, out_hbm, ia_v, st_v, lo, hi, c, sem):
    @pl.loop(0, hi - lo)
    def _r(i):
        o = (lo + i) * CHUNK
        pltpu.sync_copy(iota_hbm.at[pl.ds(o, CHUNK)], ia_v)
        pltpu.async_copy(acc_sh.at[ia_v], st_v, sem).wait()
        pltpu.sync_copy(st_v, out_hbm.at[pl.ds(c * N + o, CHUNK)])


def _sc_body(nfeat_hbm, efeat_hbm, src_hbm, dst_hbm, z128_hbm, oh_hbm,
             iota_hbm, ps_hbm, ptg_hbm,
             acc_sh, src_v, dst_v, rows_v, big_v, ef_v, oh_v, ia_v, sem):
    c = lax.axis_index("c")
    s = lax.axis_index("s")
    wid = s * NC + c
    base = wid * EPW

    lo = (s * NROWC) // NS
    hi = ((s + 1) * NROWC) // NS

    pltpu.sync_copy(z128_hbm, rows_v)
    _zero_acc(acc_sh, iota_hbm, ia_v, rows_v, lo, hi)
    plsc.subcore_barrier()

    @pl.loop(0, NCHUNK)
    def _chunk(i):
        e0 = base + i * CHUNK
        pltpu.sync_copy(src_hbm.at[pl.ds(e0, CHUNK)], src_v)
        pltpu.sync_copy(dst_hbm.at[pl.ds(e0, CHUNK)], dst_v)
        pltpu.async_copy(nfeat_hbm.at[src_v], rows_v, sem).wait()
        pltpu.sync_copy(rows_v, acc_sh.at[dst_v], add=True)

    plsc.subcore_barrier()
    _read_acc(acc_sh, iota_hbm, ps_hbm, ia_v, rows_v, lo, hi, c, sem)
    plsc.subcore_barrier()

    pltpu.sync_copy(z128_hbm, big_v)
    _zero_acc(acc_sh, iota_hbm, ia_v, big_v, lo, hi)
    pltpu.sync_copy(oh_hbm, oh_v)
    for r in range(CHUNK):
        big_v[r, pl.ds(DE, 16)] = oh_v[r, :]
    plsc.subcore_barrier()

    @pl.loop(0, NCHUNK)
    def _chunk2(i):
        e0 = base + i * CHUNK
        pltpu.sync_copy(dst_hbm.at[pl.ds(e0, CHUNK)], dst_v)
        pltpu.sync_copy(efeat_hbm.at[pl.ds(e0, CHUNK)], ef_v)
        for r in range(CHUNK):
            big_v[r, pl.ds(0, DE)] = ef_v[r, :]
        pltpu.sync_copy(big_v, acc_sh.at[dst_v], add=True)

    plsc.subcore_barrier()
    _read_acc(acc_sh, iota_hbm, ptg_hbm, ia_v, big_v, lo, hi, c, sem)


@functools.cache
def _get_sc_call():
    return pl.kernel(
        _sc_body,
        out_type=[
            jax.ShapeDtypeStruct((2 * N, D), jnp.float32),
            jax.ShapeDtypeStruct((2 * N, D), jnp.float32),
        ],
        mesh=plsc.VectorSubcoreMesh(core_axis_name="c", subcore_axis_name="s",
                                    num_cores=NC, num_subcores=NS),
        scratch_types=[
            pltpu.VMEM_SHARED((N, D), jnp.float32),
            pltpu.VMEM((CHUNK,), jnp.int32),
            pltpu.VMEM((CHUNK,), jnp.int32),
            pltpu.VMEM((CHUNK, D), jnp.float32),
            pltpu.VMEM((CHUNK, D), jnp.float32),
            pltpu.VMEM((CHUNK, DE), jnp.float32),
            pltpu.VMEM((CHUNK, 16), jnp.float32),
            pltpu.VMEM((CHUNK,), jnp.int32),
            pltpu.SemaphoreType.DMA,
        ],
    )


ROWS = 1000
GRID = N // ROWS


def _tc_body(x_ref, s0_ref, s1_ref, p0_ref, p1_ref,
             wd_ref, ws_ref, we_ref, b_ref, o_ref):
    p = p0_ref[...] + p1_ref[...]
    deg = p[:, DE:DE + 1]
    acc = jnp.dot(x_ref[...], wd_ref[...],
                  preferred_element_type=jnp.float32) + b_ref[...]
    acc = acc * deg
    acc += jnp.dot(s0_ref[...] + s1_ref[...], ws_ref[...],
                   preferred_element_type=jnp.float32)
    acc += jnp.dot(p[:, 0:DE], we_ref[...],
                   preferred_element_type=jnp.float32)
    o_ref[...] = acc


_tc_call = pl.pallas_call(
    _tc_body,
    out_shape=jax.ShapeDtypeStruct((N, D), jnp.float32),
    grid=(GRID,),
    in_specs=[
        pl.BlockSpec((ROWS, D), lambda i: (i, 0)),
        pl.BlockSpec((ROWS, D), lambda i: (i, 0)),
        pl.BlockSpec((ROWS, D), lambda i: (i + GRID, 0)),
        pl.BlockSpec((ROWS, D), lambda i: (i, 0)),
        pl.BlockSpec((ROWS, D), lambda i: (i + GRID, 0)),
        pl.BlockSpec((D, D), lambda i: (0, 0)),
        pl.BlockSpec((D, D), lambda i: (0, 0)),
        pl.BlockSpec((DE, D), lambda i: (0, 0)),
        pl.BlockSpec((1, D), lambda i: (0, 0)),
    ],
    out_specs=pl.BlockSpec((ROWS, D), lambda i: (i, 0)),
)


def kernel(nfeat, efeat, edge_index, W, b):
    src = edge_index[0]
    dst = edge_index[1]
    z128 = jnp.zeros((CHUNK, D), jnp.float32)
    oh = jnp.zeros((CHUNK, 16), jnp.float32).at[:, 0].set(1.0)
    iota = jnp.arange(N, dtype=jnp.int32)
    ps, ptg = _get_sc_call()(nfeat, efeat, src, dst, z128, oh, iota)
    wd = W[:D]
    ws = W[D:2 * D]
    we = W[2 * D:]
    return _tc_call(nfeat, ps, ps, ptg, ptg,
                    wd, ws, we, b.reshape(1, D))

# --- scband reference (transcript-rebuilt; emitter-appended) ---
"""Pipeline reference for scband-sireconv-base-2645699854684 (READ-ONLY COPY).

The authoritative reference and input builder live on the scoring server;
editing this copy changes nothing except your own understanding.
"""

import jax, jax.numpy as jnp
import numpy as np

N = 10000
E = 320000
D = 128
DE = 16

def setup_inputs(seed: int = 0) -> dict:
    key = jax.random.key(seed)
    k1, k2, k3, k4, k5 = jax.random.split(key, 5)
    nfeat = jax.random.normal(k1, (N, D), dtype=jnp.float32)
    efeat = jax.random.normal(k2, (E, DE), dtype=jnp.float32)
    edge_index = jax.random.randint(k3, (2, E), 0, N, dtype=jnp.int32)
    fan_in = 2 * D + DE
    scale = 1.0 / np.sqrt(fan_in)
    W = jax.random.uniform(k4, (fan_in, D), minval=-scale, maxval=scale, dtype=jnp.float32)
    b = jax.random.uniform(k5, (D,), minval=-scale, maxval=scale, dtype=jnp.float32)
    return {"nfeat": nfeat, "efeat": efeat, "edge_index": edge_index, "W": W, "b": b}

def reference(nfeat, efeat, edge_index, W, b):
    # SIREConvBase forward with agg_type='sum':
    #   h_u^* = sum_{v in N(u)} g([h_u || e_{u,v} || h_v])
    # norm = ones for non-'sym' aggregation (kept for faithfulness)
    src = edge_index[0]
    dst = edge_index[1]
    norm = jnp.ones((N, 1), dtype=nfeat.dtype)
    # edges.dst['eq'] = nfeat[dst], edges.src['ek'] = nfeat[src], edges.data['e'] = efeat
    message = jnp.concatenate([nfeat[dst], nfeat[src], efeat], axis=-1)
    # message_func g: linear layer
    m = message @ W + b
    m = norm[src] * norm[dst] * m
    # sum aggregation over destination nodes
    rst = jax.ops.segment_sum(m, dst, num_segments=N)
    return rst

if __name__ == "__main__":
    import jax
    _d = setup_inputs()
    print(jax.jit(kernel)(*tuple(_d.values())))

</pallas_src>

<mosaic_0001>
#map = affine_map<(d0, d1) -> (0, 0)>
#map1 = affine_map<(d0, d1) -> (0)>
module attributes {stable_mosaic.version = 14 : i64} {
  func.func @_sc_body(%arg0: i32, %arg1: i32, %arg2: memref<10000x128xf32, #tpu.memory_space<hbm>>, %arg3: memref<320000x16xf32, #tpu.memory_space<hbm>>, %arg4: memref<320000xi32, #tpu.memory_space<hbm>>, %arg5: memref<320000xi32, #tpu.memory_space<hbm>>, %arg6: memref<40x128xf32, #tpu.memory_space<hbm>>, %arg7: memref<40x16xf32, #tpu.memory_space<hbm>>, %arg8: memref<10000xi32, #tpu.memory_space<hbm>>, %arg9: memref<20000x128xf32, #tpu.memory_space<hbm>>, %arg10: memref<20000x128xf32, #tpu.memory_space<hbm>>, %arg11: memref<10000x128xf32, #tpu.memory_space<vmem_shared>>, %arg12: memref<40xi32, #tpu.memory_space<vmem>>, %arg13: memref<40xi32, #tpu.memory_space<vmem>>, %arg14: memref<40x128xf32, #tpu.memory_space<vmem>>, %arg15: memref<40x128xf32, #tpu.memory_space<vmem>>, %arg16: memref<40x16xf32, #tpu.memory_space<vmem>>, %arg17: memref<40x16xf32, #tpu.memory_space<vmem>>, %arg18: memref<40xi32, #tpu.memory_space<vmem>>, %arg19: memref<!tpu.dma_semaphore, #tpu.memory_space<semaphore_mem>>) attributes {dimension_semantics = [#tpu.dimension_semantics<core_parallel>, #tpu.dimension_semantics<subcore_parallel>], iteration_bounds = array<i64: 2, 16>, scalar_prefetch = 0 : i64, scratch_operands = 9 : i64, tpu.core_type = #tpu.core_type<sc_vector_subcore>, window_params = [{transform_indices = #map}, {transform_indices = #map}, {transform_indices = #map1}, {transform_indices = #map1}, {transform_indices = #map}, {transform_indices = #map}, {transform_indices = #map1}, {transform_indices = #map}, {transform_indices = #map}]} {
    %mul3A = arith.constant 2 : i32
    %mul3A_0 = arith.muli %arg1, %mul3A : i32
    %add3A = arith.addi %mul3A_0, %arg0 : i32
    %mul3A_1 = arith.constant 10000 : i32
    %mul3A_2 = arith.muli %add3A, %mul3A_1 : i32
    %mul3A_3 = arith.constant 250 : i32
    %mul3A_4 = arith.muli %arg1, %mul3A_3 : i32
    %jit3A = arith.constant 16 : i32
    %div3A = arith.divsi %mul3A_4, %jit3A : i32
    %sign3A = arith.constant 0 : i32
    %sign3A_5 = arith.cmpi sgt, %mul3A_4, %sign3A : i32
    %sign3A_6 = arith.extui %sign3A_5 : i1 to i32
    %sign3A_7 = arith.constant 0 : i32
    %sign3A_8 = arith.cmpi slt, %mul3A_4, %sign3A_7 : i32
    %sign3A_9 = arith.extui %sign3A_8 : i1 to i32
    %sign3A_10 = arith.subi %sign3A_6, %sign3A_9 : i32
    %sign3A_11 = arith.constant 0 : i32
    %sign3A_12 = arith.cmpi sgt, %jit3A, %sign3A_11 : i32
    %sign3A_13 = arith.extui %sign3A_12 : i1 to i32
    %sign3A_14 = arith.constant 0 : i32
    %sign3A_15 = arith.cmpi slt, %jit3A, %sign3A_14 : i32
    %sign3A_16 = arith.extui %sign3A_15 : i1 to i32
    %sign3A_17 = arith.subi %sign3A_13, %sign3A_16 : i32
    %ne3A = arith.cmpi ne, %sign3A_10, %sign3A_17 : i32
    %rem3A = arith.remsi %mul3A_4, %jit3A : i32
    %ne3A_18 = arith.constant 0 : i32
    %ne3A_19 = arith.cmpi ne, %rem3A, %ne3A_18 : i32
    %and3A = arith.andi %ne3A, %ne3A_19 : i1
    %sub3A = arith.constant 1 : i32
    %sub3A_20 = arith.subi %div3A, %sub3A : i32
    %select_n3A = arith.select %and3A, %sub3A_20, %div3A : i32
    %add3A_21 = arith.constant 1 : i32
    %add3A_22 = arith.addi %arg1, %add3A_21 : i32
    %mul3A_23 = arith.constant 250 : i32
    %mul3A_24 = arith.muli %add3A_22, %mul3A_23 : i32
    %jit3A_25 = arith.constant 16 : i32
    %div3A_26 = arith.divsi %mul3A_24, %jit3A_25 : i32
    %sign3A_27 = arith.constant 0 : i32
    %sign3A_28 = arith.cmpi sgt, %mul3A_24, %sign3A_27 : i32
    %sign3A_29 = arith.extui %sign3A_28 : i1 to i32
    %sign3A_30 = arith.constant 0 : i32
    %sign3A_31 = arith.cmpi slt, %mul3A_24, %sign3A_30 : i32
    %sign3A_32 = arith.extui %sign3A_31 : i1 to i32
    %sign3A_33 = arith.subi %sign3A_29, %sign3A_32 : i32
    %sign3A_34 = arith.constant 0 : i32
    %sign3A_35 = arith.cmpi sgt, %jit3A_25, %sign3A_34 : i32
    %sign3A_36 = arith.extui %sign3A_35 : i1 to i32
    %sign3A_37 = arith.constant 0 : i32
    %sign3A_38 = arith.cmpi slt, %jit3A_25, %sign3A_37 : i32
    %sign3A_39 = arith.extui %sign3A_38 : i1 to i32
    %sign3A_40 = arith.subi %sign3A_36, %sign3A_39 : i32
    %ne3A_41 = arith.cmpi ne, %sign3A_33, %sign3A_40 : i32
    %rem3A_42 = arith.remsi %mul3A_24, %jit3A_25 : i32
    %ne3A_43 = arith.constant 0 : i32
    %ne3A_44 = arith.cmpi ne, %rem3A_42, %ne3A_43 : i32
    %and3A_45 = arith.andi %ne3A_41, %ne3A_44 : i1
    %sub3A_46 = arith.constant 1 : i32
    %sub3A_47 = arith.subi %div3A_26, %sub3A_46 : i32
    %select_n3A_48 = arith.select %and3A_45, %sub3A_47, %div3A_26 : i32
    "tpu.region"() ({
      %run_scoped3A = tpu.sem_alloc : memref<!tpu.dma_semaphore, #tpu.memory_space<semaphore_mem>>
      tpu.enqueue_dma source(%arg6 : memref<40x128xf32, #tpu.memory_space<hbm>>) target(%arg14 : memref<40x128xf32, #tpu.memory_space<vmem>>) target_semaphore(%run_scoped3A : memref<!tpu.dma_semaphore, #tpu.memory_space<semaphore_mem>>)
      tpu.wait_dma2 semaphore(%run_scoped3A : memref<!tpu.dma_semaphore, #tpu.memory_space<semaphore_mem>>) src(%arg6 : memref<40x128xf32, #tpu.memory_space<hbm>>) dst(%arg14 : memref<40x128xf32, #tpu.memory_space<vmem>>)
      tpu.yield
    }) : () -> ()
    %sub3A_49 = arith.subi %select_n3A_48, %select_n3A : i32
    %sub3A_50 = arith.constant 0 : i32
    %sub3A_51 = arith.subi %sub3A_49, %sub3A_50 : i32
    %sub3A_52 = arith.constant 1 : i32
    %sub3A_53 = arith.constant 1 : i32
    %sub3A_54 = arith.subi %sub3A_52, %sub3A_53 : i32
    %add3A_55 = arith.addi %sub3A_51, %sub3A_54 : i32
    %div3A_56 = arith.constant 1 : i32
    %div3A_57 = arith.divsi %add3A_55, %div3A_56 : i32
    %while3A = arith.constant 1 : i32
    %while3A_58 = arith.constant 0 : i32
    %while3A_59 = arith.constant 0 : i32
    %while3A_60 = arith.subi %div3A_57, %while3A_59 : i32
    %while3A_61 = arith.addi %while3A_59, %while3A_60 : i32
    %while3A_62 = arith.constant 1 : i32
    %while3A_63 = arith.divsi %while3A_60, %while3A_62 : i32
    %while3A_64 = arith.muli %while3A_63, %while3A_62 : i32
    %while3A_65 = arith.addi %while3A_59, %while3A_64 : i32
    %while3A_66 = arith.constant 1 : i32
    scf.for %while3A_579 = %while3A_59 to %while3A_65 step %while3A_66  : i32 {
      %mul3A_580 = arith.muli %while3A_579, %while3A : i32
      %add3A_581 = arith.addi %while3A_58, %mul3A_580 : i32
      %add3A_582 = arith.addi %select_n3A, %add3A_581 : i32
      %mul3A_583 = arith.constant 40 : i32
      %mul3A_584 = arith.muli %add3A_582, %mul3A_583 : i32
      "tpu.region"() ({
        %run_scoped3A = tpu.sem_alloc : memref<!tpu.dma_semaphore, #tpu.memory_space<semaphore_mem>>
        %dma_start3A = tpu.memref_slice %arg8[%mul3A_584] : memref<10000xi32, #tpu.memory_space<hbm>> -> memref<40xi32, #tpu.memory_space<hbm>>
        %dma_start3A_585 = tpu.memref_slice %arg8[%mul3A_584] : memref<10000xi32, #tpu.memory_space<hbm>> -> memref<40xi32, #tpu.memory_space<hbm>>
        tpu.enqueue_dma source(%dma_start3A_585 : memref<40xi32, #tpu.memory_space<hbm>>) target(%arg18 : memref<40xi32, #tpu.memory_space<vmem>>) target_semaphore(%run_scoped3A : memref<!tpu.dma_semaphore, #tpu.memory_space<semaphore_mem>>)
        %dma_wait3A = tpu.memref_slice %arg8[%mul3A_584] : memref<10000xi32, #tpu.memory_space<hbm>> -> memref<40xi32, #tpu.memory_space<hbm>>
        %dma_wait3A_586 = tpu.memref_slice %arg8[%mul3A_584] : memref<10000xi32, #tpu.memory_space<hbm>> -> memref<40xi32, #tpu.memory_space<hbm>>
        tpu.wait_dma2 semaphore(%run_scoped3A : memref<!tpu.dma_semaphore, #tpu.memory_space<semaphore_mem>>) src(%dma_wait3A_586 : memref<40xi32, #tpu.memory_space<hbm>>) dst(%arg18 : memref<40xi32, #tpu.memory_space<vmem>>)
        tpu.yield
      }) : () -> ()
      "tpu.region"() ({
        %run_scoped3A = tpu.sem_alloc : memref<!tpu.dma_semaphore, #tpu.memory_space<semaphore_mem>>
        %dma_start3A = arith.constant 0 : i32
        %dma_start3A_585 = arith.constant 0 : i32
        %dma_start3A_586 = tpu.memref_slice %arg11[%dma_start3A, %dma_start3A_585] : memref<10000x128xf32, #tpu.memory_space<vmem_shared>> -> memref<10000x128xf32, #tpu.memory_space<vmem_shared>>
        tpu.enqueue_indirect_dma source(%arg14 : memref<40x128xf32, #tpu.memory_space<vmem>>) target(%dma_start3A_586 : memref<10000x128xf32, #tpu.memory_space<vmem_shared>>) offsets(%arg18 : memref<40xi32, #tpu.memory_space<vmem>>) semaphore(%run_scoped3A : memref<!tpu.dma_semaphore, #tpu.memory_space<semaphore_mem>>)
        %dma_wait3A = arith.constant 0 : i32
        %dma_wait3A_587 = arith.constant 0 : i32
        %dma_wait3A_588 = tpu.memref_slice %arg11[%dma_wait3A, %dma_wait3A_587] : memref<10000x128xf32, #tpu.memory_space<vmem_shared>> -> memref<10000x128xf32, #tpu.memory_space<vmem_shared>>
        tpu.wait_indirect_dma semaphore(%run_scoped3A : memref<!tpu.dma_semaphore, #tpu.memory_space<semaphore_mem>>) src(%arg14 : memref<40x128xf32, #tpu.memory_space<vmem>>) dst(%dma_wait3A_588 : memref<10000x128xf32, #tpu.memory_space<vmem_shared>>)
        tpu.yield
      }) : () -> ()
    }
    %while3A_67 = arith.constant 1 : i32
    scf.for %while3A_579 = %while3A_65 to %while3A_61 step %while3A_67  : i32 {
      %mul3A_580 = arith.muli %while3A_579, %while3A : i32
      %add3A_581 = arith.addi %while3A_58, %mul3A_580 : i32
      %add3A_582 = arith.addi %select_n3A, %add3A_581 : i32
      %mul3A_583 = arith.constant 40 : i32
      %mul3A_584 = arith.muli %add3A_582, %mul3A_583 : i32
      "tpu.region"() ({
        %run_scoped3A = tpu.sem_alloc : memref<!tpu.dma_semaphore, #tpu.memory_space<semaphore_mem>>
        %dma_start3A = tpu.memref_slice %arg8[%mul3A_584] : memref<10000xi32, #tpu.memory_space<hbm>> -> memref<40xi32, #tpu.memory_space<hbm>>
        %dma_start3A_585 = tpu.memref_slice %arg8[%mul3A_584] : memref<10000xi32, #tpu.memory_space<hbm>> -> memref<40xi32, #tpu.memory_space<hbm>>
        tpu.enqueue_dma source(%dma_start3A_585 : memref<40xi32, #tpu.memory_space<hbm>>) target(%arg18 : memref<40xi32, #tpu.memory_space<vmem>>) target_semaphore(%run_scoped3A : memref<!tpu.dma_semaphore, #tpu.memory_space<semaphore_mem>>)
        %dma_wait3A = tpu.memref_slice %arg8[%mul3A_584] : memref<10000xi32, #tpu.memory_space<hbm>> -> memref<40xi32, #tpu.memory_space<hbm>>
        %dma_wait3A_586 = tpu.memref_slice %arg8[%mul3A_584] : memref<10000xi32, #tpu.memory_space<hbm>> -> memref<40xi32, #tpu.memory_space<hbm>>
        tpu.wait_dma2 semaphore(%run_scoped3A : memref<!tpu.dma_semaphore, #tpu.memory_space<semaphore_mem>>) src(%dma_wait3A_586 : memref<40xi32, #tpu.memory_space<hbm>>) dst(%arg18 : memref<40xi32, #tpu.memory_space<vmem>>)
        tpu.yield
      }) : () -> ()
      "tpu.region"() ({
        %run_scoped3A = tpu.sem_alloc : memref<!tpu.dma_semaphore, #tpu.memory_space<semaphore_mem>>
        %dma_start3A = arith.constant 0 : i32
        %dma_start3A_585 = arith.constant 0 : i32
        %dma_start3A_586 = tpu.memref_slice %arg11[%dma_start3A, %dma_start3A_585] : memref<10000x128xf32, #tpu.memory_space<vmem_shared>> -> memref<10000x128xf32, #tpu.memory_space<vmem_shared>>
        tpu.enqueue_indirect_dma source(%arg14 : memref<40x128xf32, #tpu.memory_space<vmem>>) target(%dma_start3A_586 : memref<10000x128xf32, #tpu.memory_space<vmem_shared>>) offsets(%arg18 : memref<40xi32, #tpu.memory_space<vmem>>) semaphore(%run_scoped3A : memref<!tpu.dma_semaphore, #tpu.memory_space<semaphore_mem>>)
        %dma_wait3A = arith.constant 0 : i32
        %dma_wait3A_587 = arith.constant 0 : i32
        %dma_wait3A_588 = tpu.memref_slice %arg11[%dma_wait3A, %dma_wait3A_587] : memref<10000x128xf32, #tpu.memory_space<vmem_shared>> -> memref<10000x128xf32, #tpu.memory_space<vmem_shared>>
        tpu.wait_indirect_dma semaphore(%run_scoped3A : memref<!tpu.dma_semaphore, #tpu.memory_space<semaphore_mem>>) src(%arg14 : memref<40x128xf32, #tpu.memory_space<vmem>>) dst(%dma_wait3A_588 : memref<10000x128xf32, #tpu.memory_space<vmem_shared>>)
        tpu.yield
      }) : () -> ()
    }
    %barrier3A = arith.constant 0 : index
    tpu.barrier barrier_id(%barrier3A)
    %scan3A = arith.constant 0 : i32
    %scan3A_68 = arith.constant 250 : i32
    %scan3A_69 = arith.addi %scan3A, %scan3A_68 : i32
    %scan3A_70 = arith.constant 1 : i32
    scf.for %scan3A_579 = %scan3A to %scan3A_69 step %scan3A_70  : i32 {
      %mul3A_580 = arith.constant 1 : i32
      %mul3A_581 = arith.muli %scan3A_579, %mul3A_580 : i32
      %add3A_582 = arith.constant 0 : i32
      %add3A_583 = arith.addi %add3A_582, %mul3A_581 : i32
      %mul3A_584 = arith.constant 40 : i32
      %mul3A_585 = arith.muli %add3A_583, %mul3A_584 : i32
      %add3A_586 = arith.addi %mul3A_2, %mul3A_585 : i32
      "tpu.region"() ({
        %run_scoped3A = tpu.sem_alloc : memref<!tpu.dma_semaphore, #tpu.memory_space<semaphore_mem>>
        %dma_start3A_591 = tpu.memref_slice %arg4[%add3A_586] : memref<320000xi32, #tpu.memory_space<hbm>> -> memref<40xi32, #tpu.memory_space<hbm>>
        %dma_start3A_592 = tpu.memref_slice %arg4[%add3A_586] : memref<320000xi32, #tpu.memory_space<hbm>> -> memref<40xi32, #tpu.memory_space<hbm>>
        tpu.enqueue_dma source(%dma_start3A_592 : memref<40xi32, #tpu.memory_space<hbm>>) target(%arg12 : memref<40xi32, #tpu.memory_space<vmem>>) target_semaphore(%run_scoped3A : memref<!tpu.dma_semaphore, #tpu.memory_space<semaphore_mem>>)
        %dma_wait3A_593 = tpu.memref_slice %arg4[%add3A_586] : memref<320000xi32, #tpu.memory_space<hbm>> -> memref<40xi32, #tpu.memory_space<hbm>>
        %dma_wait3A_594 = tpu.memref_slice %arg4[%add3A_586] : memref<320000xi32, #tpu.memory_space<hbm>> -> memref<40xi32, #tpu.memory_space<hbm>>
        tpu.wait_dma2 semaphore(%run_scoped3A : memref<!tpu.dma_semaphore, #tpu.memory_space<semaphore_mem>>) src(%dma_wait3A_594 : memref<40xi32, #tpu.memory_space<hbm>>) dst(%arg12 : memref<40xi32, #tpu.memory_space<vmem>>)
        tpu.yield
      }) : () -> ()
      "tpu.region"() ({
        %run_scoped3A = tpu.sem_alloc : memref<!tpu.dma_semaphore, #tpu.memory_space<semaphore_mem>>
        %dma_start3A_591 = tpu.memref_slice %arg5[%add3A_586] : memref<320000xi32, #tpu.memory_space<hbm>> -> memref<40xi32, #tpu.memory_space<hbm>>
        %dma_start3A_592 = tpu.memref_slice %arg5[%add3A_586] : memref<320000xi32, #tpu.memory_space<hbm>> -> memref<40xi32, #tpu.memory_space<hbm>>
        tpu.enqueue_dma source(%dma_start3A_592 : memref<40xi32, #tpu.memory_space<hbm>>) target(%arg13 : memref<40xi32, #tpu.memory_space<vmem>>) target_semaphore(%run_scoped3A : memref<!tpu.dma_semaphore, #tpu.memory_space<semaphore_mem>>)
        %dma_wait3A_593 = tpu.memref_slice %arg5[%add3A_586] : memref<320000xi32, #tpu.memory_space<hbm>> -> memref<40xi32, #tpu.memory_space<hbm>>
        %dma_wait3A_594 = tpu.memref_slice %arg5[%add3A_586] : memref<320000xi32, #tpu.memory_space<hbm>> -> memref<40xi32, #tpu.memory_space<hbm>>
        tpu.wait_dma2 semaphore(%run_scoped3A : memref<!tpu.dma_semaphore, #tpu.memory_space<semaphore_mem>>) src(%dma_wait3A_594 : memref<40xi32, #tpu.memory_space<hbm>>) dst(%arg13 : memref<40xi32, #tpu.memory_space<vmem>>)
        tpu.yield
      }) : () -> ()
      %dma_start3A = arith.constant 0 : i32
      %dma_start3A_587 = arith.constant 0 : i32
      %dma_start3A_588 = tpu.memref_slice %arg2[%dma_start3A, %dma_start3A_587] : memref<10000x128xf32, #tpu.memory_space<hbm>> -> memref<10000x128xf32, #tpu.memory_space<hbm>>
      tpu.enqueue_indirect_dma source(%dma_start3A_588 : memref<10000x128xf32, #tpu.memory_space<hbm>>) target(%arg14 : memref<40x128xf32, #tpu.memory_space<vmem>>) offsets(%arg12 : memref<40xi32, #tpu.memory_space<vmem>>) semaphore(%arg19 : memref<!tpu.dma_semaphore, #tpu.memory_space<semaphore_mem>>)
      %dma_wait3A = arith.constant 0 : i32
      %dma_wait3A_589 = arith.constant 0 : i32
      %dma_wait3A_590 = tpu.memref_slice %arg2[%dma_wait3A, %dma_wait3A_589] : memref<10000x128xf32, #tpu.memory_space<hbm>> -> memref<10000x128xf32, #tpu.memory_space<hbm>>
      tpu.wait_indirect_dma semaphore(%arg19 : memref<!tpu.dma_semaphore, #tpu.memory_space<semaphore_mem>>) src(%dma_wait3A_590 : memref<10000x128xf32, #tpu.memory_space<hbm>>) dst(%arg14 : memref<40x128xf32, #tpu.memory_space<vmem>>)
      "tpu.region"() ({
        %run_scoped3A = tpu.sem_alloc : memref<!tpu.dma_semaphore, #tpu.memory_space<semaphore_mem>>
        %dma_start3A_591 = arith.constant 0 : i32
        %dma_start3A_592 = arith.constant 0 : i32
        %dma_start3A_593 = tpu.memref_slice %arg11[%dma_start3A_591, %dma_start3A_592] : memref<10000x128xf32, #tpu.memory_space<vmem_shared>> -> memref<10000x128xf32, #tpu.memory_space<vmem_shared>>
        tpu.enqueue_indirect_dma source(%arg14 : memref<40x128xf32, #tpu.memory_space<vmem>>) target(%dma_start3A_593 : memref<10000x128xf32, #tpu.memory_space<vmem_shared>>) offsets(%arg13 : memref<40xi32, #tpu.memory_space<vmem>>) semaphore(%run_scoped3A : memref<!tpu.dma_semaphore, #tpu.memory_space<semaphore_mem>>) {add = true}
        %dma_wait3A_594 = arith.constant 0 : i32
        %dma_wait3A_595 = arith.constant 0 : i32
        %dma_wait3A_596 = tpu.memref_slice %arg11[%dma_wait3A_594, %dma_wait3A_595] : memref<10000x128xf32, #tpu.memory_space<vmem_shared>> -> memref<10000x128xf32, #tpu.memory_space<vmem_shared>>
        tpu.wait_indirect_dma semaphore(%run_scoped3A : memref<!tpu.dma_semaphore, #tpu.memory_space<semaphore_mem>>) src(%arg14 : memref<40x128xf32, #tpu.memory_space<vmem>>) dst(%dma_wait3A_596 : memref<10000x128xf32, #tpu.memory_space<vmem_shared>>)
        tpu.yield
      }) : () -> ()
    }
    %scan3A_71 = arith.constant 250 : i32
    %barrier3A_72 = arith.constant 0 : index
    tpu.barrier barrier_id(%barrier3A_72)
    %sub3A_73 = arith.subi %select_n3A_48, %select_n3A : i32
    %sub3A_74 = arith.constant 0 : i32
    %sub3A_75 = arith.subi %sub3A_73, %sub3A_74 : i32
    %sub3A_76 = arith.constant 1 : i32
    %sub3A_77 = arith.constant 1 : i32
    %sub3A_78 = arith.subi %sub3A_76, %sub3A_77 : i32
    %add3A_79 = arith.addi %sub3A_75, %sub3A_78 : i32
    %div3A_80 = arith.constant 1 : i32
    %div3A_81 = arith.divsi %add3A_79, %div3A_80 : i32
    %while3A_82 = arith.constant 1 : i32
    %while3A_83 = arith.constant 0 : i32
    %while3A_84 = arith.constant 0 : i32
    %while3A_85 = arith.subi %div3A_81, %while3A_84 : i32
    %while3A_86 = arith.addi %while3A_84, %while3A_85 : i32
    %while3A_87 = arith.constant 1 : i32
    %while3A_88 = arith.divsi %while3A_85, %while3A_87 : i32
    %while3A_89 = arith.muli %while3A_88, %while3A_87 : i32
    %while3A_90 = arith.addi %while3A_84, %while3A_89 : i32
    %while3A_91 = arith.constant 1 : i32
    scf.for %while3A_579 = %while3A_84 to %while3A_90 step %while3A_91  : i32 {
      %mul3A_580 = arith.muli %while3A_579, %while3A_82 : i32
      %add3A_581 = arith.addi %while3A_83, %mul3A_580 : i32
      %add3A_582 = arith.addi %select_n3A, %add3A_581 : i32
      %mul3A_583 = arith.constant 40 : i32
      %mul3A_584 = arith.muli %add3A_582, %mul3A_583 : i32
      "tpu.region"() ({
        %run_scoped3A = tpu.sem_alloc : memref<!tpu.dma_semaphore, #tpu.memory_space<semaphore_mem>>
        %dma_start3A_592 = tpu.memref_slice %arg8[%mul3A_584] : memref<10000xi32, #tpu.memory_space<hbm>> -> memref<40xi32, #tpu.memory_space<hbm>>
        %dma_start3A_593 = tpu.memref_slice %arg8[%mul3A_584] : memref<10000xi32, #tpu.memory_space<hbm>> -> memref<40xi32, #tpu.memory_space<hbm>>
        tpu.enqueue_dma source(%dma_start3A_593 : memref<40xi32, #tpu.memory_space<hbm>>) target(%arg18 : memref<40xi32, #tpu.memory_space<vmem>>) target_semaphore(%run_scoped3A : memref<!tpu.dma_semaphore, #tpu.memory_space<semaphore_mem>>)
        %dma_wait3A_594 = tpu.memref_slice %arg8[%mul3A_584] : memref<10000xi32, #tpu.memory_space<hbm>> -> memref<40xi32, #tpu.memory_space<hbm>>
        %dma_wait3A_595 = tpu.memref_slice %arg8[%mul3A_584] : memref<10000xi32, #tpu.memory_space<hbm>> -> memref<40xi32, #tpu.memory_space<hbm>>
        tpu.wait_dma2 semaphore(%run_scoped3A : memref<!tpu.dma_semaphore, #tpu.memory_space<semaphore_mem>>) src(%dma_wait3A_595 : memref<40xi32, #tpu.memory_space<hbm>>) dst(%arg18 : memref<40xi32, #tpu.memory_space<vmem>>)
        tpu.yield
      }) : () -> ()
      %dma_start3A = arith.constant 0 : i32
      %dma_start3A_585 = arith.constant 0 : i32
      %dma_start3A_586 = tpu.memref_slice %arg11[%dma_start3A, %dma_start3A_585] : memref<10000x128xf32, #tpu.memory_space<vmem_shared>> -> memref<10000x128xf32, #tpu.memory_space<vmem_shared>>
      tpu.enqueue_indirect_dma source(%dma_start3A_586 : memref<10000x128xf32, #tpu.memory_space<vmem_shared>>) target(%arg14 : memref<40x128xf32, #tpu.memory_space<vmem>>) offsets(%arg18 : memref<40xi32, #tpu.memory_space<vmem>>) semaphore(%arg19 : memref<!tpu.dma_semaphore, #tpu.memory_space<semaphore_mem>>)
      %dma_wait3A = arith.constant 0 : i32
      %dma_wait3A_587 = arith.constant 0 : i32
      %dma_wait3A_588 = tpu.memref_slice %arg11[%dma_wait3A, %dma_wait3A_587] : memref<10000x128xf32, #tpu.memory_space<vmem_shared>> -> memref<10000x128xf32, #tpu.memory_space<vmem_shared>>
      tpu.wait_indirect_dma semaphore(%arg19 : memref<!tpu.dma_semaphore, #tpu.memory_space<semaphore_mem>>) src(%dma_wait3A_588 : memref<10000x128xf32, #tpu.memory_space<vmem_shared>>) dst(%arg14 : memref<40x128xf32, #tpu.memory_space<vmem>>)
      %mul3A_589 = arith.constant 10000 : i32
      %mul3A_590 = arith.muli %arg0, %mul3A_589 : i32
      %add3A_591 = arith.addi %mul3A_590, %mul3A_584 : i32
      "tpu.region"() ({
        %run_scoped3A = tpu.sem_alloc : memref<!tpu.dma_semaphore, #tpu.memory_space<semaphore_mem>>
        %dma_start3A_592 = arith.constant 0 : i32
        %dma_start3A_593 = tpu.memref_slice %arg9[%add3A_591, %dma_start3A_592] : memref<20000x128xf32, #tpu.memory_space<hbm>> -> memref<40x128xf32, #tpu.memory_space<hbm>>
        %dma_start3A_594 = arith.constant 0 : i32
        %dma_start3A_595 = tpu.memref_slice %arg9[%add3A_591, %dma_start3A_594] : memref<20000x128xf32, #tpu.memory_space<hbm>> -> memref<40x128xf32, #tpu.memory_space<hbm>>
        tpu.enqueue_dma source(%arg14 : memref<40x128xf32, #tpu.memory_space<vmem>>) target(%dma_start3A_595 : memref<40x128xf32, #tpu.memory_space<hbm>>) target_semaphore(%run_scoped3A : memref<!tpu.dma_semaphore, #tpu.memory_space<semaphore_mem>>)
        %dma_wait3A_596 = arith.constant 0 : i32
        %dma_wait3A_597 = tpu.memref_slice %arg9[%add3A_591, %dma_wait3A_596] : memref<20000x128xf32, #tpu.memory_space<hbm>> -> memref<40x128xf32, #tpu.memory_space<hbm>>
        %dma_wait3A_598 = arith.constant 0 : i32
        %dma_wait3A_599 = tpu.memref_slice %arg9[%add3A_591, %dma_wait3A_598] : memref<20000x128xf32, #tpu.memory_space<hbm>> -> memref<40x128xf32, #tpu.memory_space<hbm>>
        tpu.wait_dma2 semaphore(%run_scoped3A : memref<!tpu.dma_semaphore, #tpu.memory_space<semaphore_mem>>) src(%arg14 : memref<40x128xf32, #tpu.memory_space<vmem>>) dst(%dma_wait3A_599 : memref<40x128xf32, #tpu.memory_space<hbm>>)
        tpu.yield
      }) : () -> ()
    }
    %while3A_92 = arith.constant 1 : i32
    scf.for %while3A_579 = %while3A_90 to %while3A_86 step %while3A_92  : i32 {
      %mul3A_580 = arith.muli %while3A_579, %while3A_82 : i32
      %add3A_581 = arith.addi %while3A_83, %mul3A_580 : i32
      %add3A_582 = arith.addi %select_n3A, %add3A_581 : i32
      %mul3A_583 = arith.constant 40 : i32
      %mul3A_584 = arith.muli %add3A_582, %mul3A_583 : i32
      "tpu.region"() ({
        %run_scoped3A = tpu.sem_alloc : memref<!tpu.dma_semaphore, #tpu.memory_space<semaphore_mem>>
        %dma_start3A_592 = tpu.memref_slice %arg8[%mul3A_584] : memref<10000xi32, #tpu.memory_space<hbm>> -> memref<40xi32, #tpu.memory_space<hbm>>
        %dma_start3A_593 = tpu.memref_slice %arg8[%mul3A_584] : memref<10000xi32, #tpu.memory_space<hbm>> -> memref<40xi32, #tpu.memory_space<hbm>>
        tpu.enqueue_dma source(%dma_start3A_593 : memref<40xi32, #tpu.memory_space<hbm>>) target(%arg18 : memref<40xi32, #tpu.memory_space<vmem>>) target_semaphore(%run_scoped3A : memref<!tpu.dma_semaphore, #tpu.memory_space<semaphore_mem>>)
        %dma_wait3A_594 = tpu.memref_slice %arg8[%mul3A_584] : memref<10000xi32, #tpu.memory_space<hbm>> -> memref<40xi32, #tpu.memory_space<hbm>>
        %dma_wait3A_595 = tpu.memref_slice %arg8[%mul3A_584] : memref<10000xi32, #tpu.memory_space<hbm>> -> memref<40xi32, #tpu.memory_space<hbm>>
        tpu.wait_dma2 semaphore(%run_scoped3A : memref<!tpu.dma_semaphore, #tpu.memory_space<semaphore_mem>>) src(%dma_wait3A_595 : memref<40xi32, #tpu.memory_space<hbm>>) dst(%arg18 : memref<40xi32, #tpu.memory_space<vmem>>)
        tpu.yield
      }) : () -> ()
      %dma_start3A = arith.constant 0 : i32
      %dma_start3A_585 = arith.constant 0 : i32
      %dma_start3A_586 = tpu.memref_slice %arg11[%dma_start3A, %dma_start3A_585] : memref<10000x128xf32, #tpu.memory_space<vmem_shared>> -> memref<10000x128xf32, #tpu.memory_space<vmem_shared>>
      tpu.enqueue_indirect_dma source(%dma_start3A_586 : memref<10000x128xf32, #tpu.memory_space<vmem_shared>>) target(%arg14 : memref<40x128xf32, #tpu.memory_space<vmem>>) offsets(%arg18 : memref<40xi32, #tpu.memory_space<vmem>>) semaphore(%arg19 : memref<!tpu.dma_semaphore, #tpu.memory_space<semaphore_mem>>)
      %dma_wait3A = arith.constant 0 : i32
      %dma_wait3A_587 = arith.constant 0 : i32
      %dma_wait3A_588 = tpu.memref_slice %arg11[%dma_wait3A, %dma_wait3A_587] : memref<10000x128xf32, #tpu.memory_space<vmem_shared>> -> memref<10000x128xf32, #tpu.memory_space<vmem_shared>>
      tpu.wait_indirect_dma semaphore(%arg19 : memref<!tpu.dma_semaphore, #tpu.memory_space<semaphore_mem>>) src(%dma_wait3A_588 : memref<10000x128xf32, #tpu.memory_space<vmem_shared>>) dst(%arg14 : memref<40x128xf32, #tpu.memory_space<vmem>>)
      %mul3A_589 = arith.constant 10000 : i32
      %mul3A_590 = arith.muli %arg0, %mul3A_589 : i32
      %add3A_591 = arith.addi %mul3A_590, %mul3A_584 : i32
      "tpu.region"() ({
        %run_scoped3A = tpu.sem_alloc : memref<!tpu.dma_semaphore, #tpu.memory_space<semaphore_mem>>
        %dma_start3A_592 = arith.constant 0 : i32
        %dma_start3A_593 = tpu.memref_slice %arg9[%add3A_591, %dma_start3A_592] : memref<20000x128xf32, #tpu.memory_space<hbm>> -> memref<40x128xf32, #tpu.memory_space<hbm>>
        %dma_start3A_594 = arith.constant 0 : i32
        %dma_start3A_595 = tpu.memref_slice %arg9[%add3A_591, %dma_start3A_594] : memref<20000x128xf32, #tpu.memory_space<hbm>> -> memref<40x128xf32, #tpu.memory_space<hbm>>
        tpu.enqueue_dma source(%arg14 : memref<40x128xf32, #tpu.memory_space<vmem>>) target(%dma_start3A_595 : memref<40x128xf32, #tpu.memory_space<hbm>>) target_semaphore(%run_scoped3A : memref<!tpu.dma_semaphore, #tpu.memory_space<semaphore_mem>>)
        %dma_wait3A_596 = arith.constant 0 : i32
        %dma_wait3A_597 = tpu.memref_slice %arg9[%add3A_591, %dma_wait3A_596] : memref<20000x128xf32, #tpu.memory_space<hbm>> -> memref<40x128xf32, #tpu.memory_space<hbm>>
        %dma_wait3A_598 = arith.constant 0 : i32
        %dma_wait3A_599 = tpu.memref_slice %arg9[%add3A_591, %dma_wait3A_598] : memref<20000x128xf32, #tpu.memory_space<hbm>> -> memref<40x128xf32, #tpu.memory_space<hbm>>
        tpu.wait_dma2 semaphore(%run_scoped3A : memref<!tpu.dma_semaphore, #tpu.memory_space<semaphore_mem>>) src(%arg14 : memref<40x128xf32, #tpu.memory_space<vmem>>) dst(%dma_wait3A_599 : memref<40x128xf32, #tpu.memory_space<hbm>>)
        tpu.yield
      }) : () -> ()
    }
    %barrier3A_93 = arith.constant 0 : index
    tpu.barrier barrier_id(%barrier3A_93)
    "tpu.region"() ({
      %run_scoped3A = tpu.sem_alloc : memref<!tpu.dma_semaphore, #tpu.memory_space<semaphore_mem>>
      tpu.enqueue_dma source(%arg6 : memref<40x128xf32, #tpu.memory_space<hbm>>) target(%arg15 : memref<40x128xf32, #tpu.memory_space<vmem>>) target_semaphore(%run_scoped3A : memref<!tpu.dma_semaphore, #tpu.memory_space<semaphore_mem>>)
      tpu.wait_dma2 semaphore(%run_scoped3A : memref<!tpu.dma_semaphore, #tpu.memory_space<semaphore_mem>>) src(%arg6 : memref<40x128xf32, #tpu.memory_space<hbm>>) dst(%arg15 : memref<40x128xf32, #tpu.memory_space<vmem>>)
      tpu.yield
    }) : () -> ()
    %sub3A_94 = arith.subi %select_n3A_48, %select_n3A : i32
    %sub3A_95 = arith.constant 0 : i32
    %sub3A_96 = arith.subi %sub3A_94, %sub3A_95 : i32
    %sub3A_97 = arith.constant 1 : i32
    %sub3A_98 = arith.constant 1 : i32
    %sub3A_99 = arith.subi %sub3A_97, %sub3A_98 : i32
    %add3A_100 = arith.addi %sub3A_96, %sub3A_99 : i32
    %div3A_101 = arith.constant 1 : i32
    %div3A_102 = arith.divsi %add3A_100, %div3A_101 : i32
    %while3A_103 = arith.constant 1 : i32
    %while3A_104 = arith.constant 0 : i32
    %while3A_105 = arith.constant 0 : i32
    %while3A_106 = arith.subi %div3A_102, %while3A_105 : i32
    %while3A_107 = arith.addi %while3A_105, %while3A_106 : i32
    %while3A_108 = arith.constant 1 : i32
    %while3A_109 = arith.divsi %while3A_106, %while3A_108 : i32
    %while3A_110 = arith.muli %while3A_109, %while3A_108 : i32
    %while3A_111 = arith.addi %while3A_105, %while3A_110 : i32
    %while3A_112 = arith.constant 1 : i32
    scf.for %while3A_579 = %while3A_105 to %while3A_111 step %while3A_112  : i32 {
      %mul3A_580 = arith.muli %while3A_579, %while3A_103 : i32
      %add3A_581 = arith.addi %while3A_104, %mul3A_580 : i32
      %add3A_582 = arith.addi %select_n3A, %add3A_581 : i32
      %mul3A_583 = arith.constant 40 : i32
      %mul3A_584 = arith.muli %add3A_582, %mul3A_583 : i32
      "tpu.region"() ({
        %run_scoped3A = tpu.sem_alloc : memref<!tpu.dma_semaphore, #tpu.memory_space<semaphore_mem>>
        %dma_start3A = tpu.memref_slice %arg8[%mul3A_584] : memref<10000xi32, #tpu.memory_space<hbm>> -> memref<40xi32, #tpu.memory_space<hbm>>
        %dma_start3A_585 = tpu.memref_slice %arg8[%mul3A_584] : memref<10000xi32, #tpu.memory_space<hbm>> -> memref<40xi32, #tpu.memory_space<hbm>>
        tpu.enqueue_dma source(%dma_start3A_585 : memref<40xi32, #tpu.memory_space<hbm>>) target(%arg18 : memref<40xi32, #tpu.memory_space<vmem>>) target_semaphore(%run_scoped3A : memref<!tpu.dma_semaphore, #tpu.memory_space<semaphore_mem>>)
        %dma_wait3A = tpu.memref_slice %arg8[%mul3A_584] : memref<10000xi32, #tpu.memory_space<hbm>> -> memref<40xi32, #tpu.memory_space<hbm>>
        %dma_wait3A_586 = tpu.memref_slice %arg8[%mul3A_584] : memref<10000xi32, #tpu.memory_space<hbm>> -> memref<40xi32, #tpu.memory_space<hbm>>
        tpu.wait_dma2 semaphore(%run_scoped3A : memref<!tpu.dma_semaphore, #tpu.memory_space<semaphore_mem>>) src(%dma_wait3A_586 : memref<40xi32, #tpu.memory_space<hbm>>) dst(%arg18 : memref<40xi32, #tpu.memory_space<vmem>>)
        tpu.yield
      }) : () -> ()
      "tpu.region"() ({
        %run_scoped3A = tpu.sem_alloc : memref<!tpu.dma_semaphore, #tpu.memory_space<semaphore_mem>>
        %dma_start3A = arith.constant 0 : i32
        %dma_start3A_585 = arith.constant 0 : i32
        %dma_start3A_586 = tpu.memref_slice %arg11[%dma_start3A, %dma_start3A_585] : memref<10000x128xf32, #tpu.memory_space<vmem_shared>> -> memref<10000x128xf32, #tpu.memory_space<vmem_shared>>
        tpu.enqueue_indirect_dma source(%arg15 : memref<40x128xf32, #tpu.memory_space<vmem>>) target(%dma_start3A_586 : memref<10000x128xf32, #tpu.memory_space<vmem_shared>>) offsets(%arg18 : memref<40xi32, #tpu.memory_space<vmem>>) semaphore(%run_scoped3A : memref<!tpu.dma_semaphore, #tpu.memory_space<semaphore_mem>>)
        %dma_wait3A = arith.constant 0 : i32
        %dma_wait3A_587 = arith.constant 0 : i32
        %dma_wait3A_588 = tpu.memref_slice %arg11[%dma_wait3A, %dma_wait3A_587] : memref<10000x128xf32, #tpu.memory_space<vmem_shared>> -> memref<10000x128xf32, #tpu.memory_space<vmem_shared>>
        tpu.wait_indirect_dma semaphore(%run_scoped3A : memref<!tpu.dma_semaphore, #tpu.memory_space<semaphore_mem>>) src(%arg15 : memref<40x128xf32, #tpu.memory_space<vmem>>) dst(%dma_wait3A_588 : memref<10000x128xf32, #tpu.memory_space<vmem_shared>>)
        tpu.yield
      }) : () -> ()
    }
    %while3A_113 = arith.constant 1 : i32
    scf.for %while3A_579 = %while3A_111 to %while3A_107 step %while3A_113  : i32 {
      %mul3A_580 = arith.muli %while3A_579, %while3A_103 : i32
      %add3A_581 = arith.addi %while3A_104, %mul3A_580 : i32
      %add3A_582 = arith.addi %select_n3A, %add3A_581 : i32
      %mul3A_583 = arith.constant 40 : i32
      %mul3A_584 = arith.muli %add3A_582, %mul3A_583 : i32
      "tpu.region"() ({
        %run_scoped3A = tpu.sem_alloc : memref<!tpu.dma_semaphore, #tpu.memory_space<semaphore_mem>>
        %dma_start3A = tpu.memref_slice %arg8[%mul3A_584] : memref<10000xi32, #tpu.memory_space<hbm>> -> memref<40xi32, #tpu.memory_space<hbm>>
        %dma_start3A_585 = tpu.memref_slice %arg8[%mul3A_584] : memref<10000xi32, #tpu.memory_space<hbm>> -> memref<40xi32, #tpu.memory_space<hbm>>
        tpu.enqueue_dma source(%dma_start3A_585 : memref<40xi32, #tpu.memory_space<hbm>>) target(%arg18 : memref<40xi32, #tpu.memory_space<vmem>>) target_semaphore(%run_scoped3A : memref<!tpu.dma_semaphore, #tpu.memory_space<semaphore_mem>>)
        %dma_wait3A = tpu.memref_slice %arg8[%mul3A_584] : memref<10000xi32, #tpu.memory_space<hbm>> -> memref<40xi32, #tpu.memory_space<hbm>>
        %dma_wait3A_586 = tpu.memref_slice %arg8[%mul3A_584] : memref<10000xi32, #tpu.memory_space<hbm>> -> memref<40xi32, #tpu.memory_space<hbm>>
        tpu.wait_dma2 semaphore(%run_scoped3A : memref<!tpu.dma_semaphore, #tpu.memory_space<semaphore_mem>>) src(%dma_wait3A_586 : memref<40xi32, #tpu.memory_space<hbm>>) dst(%arg18 : memref<40xi32, #tpu.memory_space<vmem>>)
        tpu.yield
      }) : () -> ()
      "tpu.region"() ({
        %run_scoped3A = tpu.sem_alloc : memref<!tpu.dma_semaphore, #tpu.memory_space<semaphore_mem>>
        %dma_start3A = arith.constant 0 : i32
        %dma_start3A_585 = arith.constant 0 : i32
        %dma_start3A_586 = tpu.memref_slice %arg11[%dma_start3A, %dma_start3A_585] : memref<10000x128xf32, #tpu.memory_space<vmem_shared>> -> memref<10000x128xf32, #tpu.memory_space<vmem_shared>>
        tpu.enqueue_indirect_dma source(%arg15 : memref<40x128xf32, #tpu.memory_space<vmem>>) target(%dma_start3A_586 : memref<10000x128xf32, #tpu.memory_space<vmem_shared>>) offsets(%arg18 : memref<40xi32, #tpu.memory_space<vmem>>) semaphore(%run_scoped3A : memref<!tpu.dma_semaphore, #tpu.memory_space<semaphore_mem>>)
        %dma_wait3A = arith.constant 0 : i32
        %dma_wait3A_587 = arith.constant 0 : i32
        %dma_wait3A_588 = tpu.memref_slice %arg11[%dma_wait3A, %dma_wait3A_587] : memref<10000x128xf32, #tpu.memory_space<vmem_shared>> -> memref<10000x128xf32, #tpu.memory_space<vmem_shared>>
        tpu.wait_indirect_dma semaphore(%run_scoped3A : memref<!tpu.dma_semaphore, #tpu.memory_space<semaphore_mem>>) src(%arg15 : memref<40x128xf32, #tpu.memory_space<vmem>>) dst(%dma_wait3A_588 : memref<10000x128xf32, #tpu.memory_space<vmem_shared>>)
        tpu.yield
      }) : () -> ()
    }
    "tpu.region"() ({
      %run_scoped3A = tpu.sem_alloc : memref<!tpu.dma_semaphore, #tpu.memory_space<semaphore_mem>>
      tpu.enqueue_dma source(%arg7 : memref<40x16xf32, #tpu.memory_space<hbm>>) target(%arg17 : memref<40x16xf32, #tpu.memory_space<vmem>>) target_semaphore(%run_scoped3A : memref<!tpu.dma_semaphore, #tpu.memory_space<semaphore_mem>>)
      tpu.wait_dma2 semaphore(%run_scoped3A : memref<!tpu.dma_semaphore, #tpu.memory_space<semaphore_mem>>) src(%arg7 : memref<40x16xf32, #tpu.memory_space<hbm>>) dst(%arg17 : memref<40x16xf32, #tpu.memory_space<vmem>>)
      tpu.yield
    }) : () -> ()
    %get3A = arith.constant 0 : i32
    %get3A_114 = arith.index_cast %get3A : i32 to index
    %get3A_115 = arith.constant 0 : index
    %get3A_116 = tpu.vector_load %arg17[%get3A_114, %get3A_115] {strides = array<i32>} : memref<40x16xf32, #tpu.memory_space<vmem>>, vector<1x16xf32>,
    %get3A_117 = vector.shape_cast %get3A_116 : vector<1x16xf32> to vector<16xf32>
    %swap3A = arith.constant 0 : i32
    %swap3A_118 = arith.index_cast %swap3A : i32 to index
    %swap3A_119 = arith.constant 16 : index
    %swap3A_120 = tpu.vector_load %arg15[%swap3A_118, %swap3A_119] {strides = array<i32>} : memref<40x128xf32, #tpu.memory_space<vmem>>, vector<1x16xf32>,
    %swap3A_121 = vector.shape_cast %swap3A_120 : vector<1x16xf32> to vector<16xf32>
    %swap3A_122 = vector.shape_cast %get3A_117 : vector<16xf32> to vector<1x16xf32>
    tpu.vector_store %arg15[%swap3A_118, %swap3A_119], %swap3A_122 {strides = array<i32>} : memref<40x128xf32, #tpu.memory_space<vmem>>, vector<1x16xf32>,
    %get3A_123 = arith.constant 1 : i32
    %get3A_124 = arith.index_cast %get3A_123 : i32 to index
    %get3A_125 = arith.constant 0 : index
    %get3A_126 = tpu.vector_load %arg17[%get3A_124, %get3A_125] {strides = array<i32>} : memref<40x16xf32, #tpu.memory_space<vmem>>, vector<1x16xf32>,
    %get3A_127 = vector.shape_cast %get3A_126 : vector<1x16xf32> to vector<16xf32>
    %swap3A_128 = arith.constant 1 : i32
    %swap3A_129 = arith.index_cast %swap3A_128 : i32 to index
    %swap3A_130 = arith.constant 16 : index
    %swap3A_131 = tpu.vector_load %arg15[%swap3A_129, %swap3A_130] {strides = array<i32>} : memref<40x128xf32, #tpu.memory_space<vmem>>, vector<1x16xf32>,
    %swap3A_132 = vector.shape_cast %swap3A_131 : vector<1x16xf32> to vector<16xf32>
    %swap3A_133 = vector.shape_cast %get3A_127 : vector<16xf32> to vector<1x16xf32>
    tpu.vector_store %arg15[%swap3A_129, %swap3A_130], %swap3A_133 {strides = array<i32>} : memref<40x128xf32, #tpu.memory_space<vmem>>, vector<1x16xf32>,
    %get3A_134 = arith.constant 2 : i32
    %get3A_135 = arith.index_cast %get3A_134 : i32 to index
    %get3A_136 = arith.constant 0 : index
    %get3A_137 = tpu.vector_load %arg17[%get3A_135, %get3A_136] {strides = array<i32>} : memref<40x16xf32, #tpu.memory_space<vmem>>, vector<1x16xf32>,
    %get3A_138 = vector.shape_cast %get3A_137 : vector<1x16xf32> to vector<16xf32>
    %swap3A_139 = arith.constant 2 : i32
    %swap3A_140 = arith.index_cast %swap3A_139 : i32 to index
    %swap3A_141 = arith.constant 16 : index
    %swap3A_142 = tpu.vector_load %arg15[%swap3A_140, %swap3A_141] {strides = array<i32>} : memref<40x128xf32, #tpu.memory_space<vmem>>, vector<1x16xf32>,
    %swap3A_143 = vector.shape_cast %swap3A_142 : vector<1x16xf32> to vector<16xf32>
    %swap3A_144 = vector.shape_cast %get3A_138 : vector<16xf32> to vector<1x16xf32>
    tpu.vector_store %arg15[%swap3A_140, %swap3A_141], %swap3A_144 {strides = array<i32>} : memref<40x128xf32, #tpu.memory_space<vmem>>, vector<1x16xf32>,
    %get3A_145 = arith.constant 3 : i32
    %get3A_146 = arith.index_cast %get3A_145 : i32 to index
    %get3A_147 = arith.constant 0 : index
    %get3A_148 = tpu.vector_load %arg17[%get3A_146, %get3A_147] {strides = array<i32>} : memref<40x16xf32, #tpu.memory_space<vmem>>, vector<1x16xf32>,
    %get3A_149 = vector.shape_cast %get3A_148 : vector<1x16xf32> to vector<16xf32>
    %swap3A_150 = arith.constant 3 : i32
    %swap3A_151 = arith.index_cast %swap3A_150 : i32 to index
    %swap3A_152 = arith.constant 16 : index
    %swap3A_153 = tpu.vector_load %arg15[%swap3A_151, %swap3A_152] {strides = array<i32>} : memref<40x128xf32, #tpu.memory_space<vmem>>, vector<1x16xf32>,
    %swap3A_154 = vector.shape_cast %swap3A_153 : vector<1x16xf32> to vector<16xf32>
    %swap3A_155 = vector.shape_cast %get3A_149 : vector<16xf32> to vector<1x16xf32>
    tpu.vector_store %arg15[%swap3A_151, %swap3A_152], %swap3A_155 {strides = array<i32>} : memref<40x128xf32, #tpu.memory_space<vmem>>, vector<1x16xf32>,
    %get3A_156 = arith.constant 4 : i32
    %get3A_157 = arith.index_cast %get3A_156 : i32 to index
    %get3A_158 = arith.constant 0 : index
    %get3A_159 = tpu.vector_load %arg17[%get3A_157, %get3A_158] {strides = array<i32>} : memref<40x16xf32, #tpu.memory_space<vmem>>, vector<1x16xf32>,
    %get3A_160 = vector.shape_cast %get3A_159 : vector<1x16xf32> to vector<16xf32>
    %swap3A_161 = arith.constant 4 : i32
    %swap3A_162 = arith.index_cast %swap3A_161 : i32 to index
    %swap3A_163 = arith.constant 16 : index
    %swap3A_164 = tpu.vector_load %arg15[%swap3A_162, %swap3A_163] {strides = array<i32>} : memref<40x128xf32, #tpu.memory_space<vmem>>, vector<1x16xf32>,
    %swap3A_165 = vector.shape_cast %swap3A_164 : vector<1x16xf32> to vector<16xf32>
    %swap3A_166 = vector.shape_cast %get3A_160 : vector<16xf32> to vector<1x16xf32>
    tpu.vector_store %arg15[%swap3A_162, %swap3A_163], %swap3A_166 {strides = array<i32>} : memref<40x128xf32, #tpu.memory_space<vmem>>, vector<1x16xf32>,
    %get3A_167 = arith.constant 5 : i32
    %get3A_168 = arith.index_cast %get3A_167 : i32 to index
    %get3A_169 = arith.constant 0 : index
    %get3A_170 = tpu.vector_load %arg17[%get3A_168, %get3A_169] {strides = array<i32>} : memref<40x16xf32, #tpu.memory_space<vmem>>, vector<1x16xf32>,
    %get3A_171 = vector.shape_cast %get3A_170 : vector<1x16xf32> to vector<16xf32>
    %swap3A_172 = arith.constant 5 : i32
    %swap3A_173 = arith.index_cast %swap3A_172 : i32 to index
    %swap3A_174 = arith.constant 16 : index
    %swap3A_175 = tpu.vector_load %arg15[%swap3A_173, %swap3A_174] {strides = array<i32>} : memref<40x128xf32, #tpu.memory_space<vmem>>, vector<1x16xf32>,
    %swap3A_176 = vector.shape_cast %swap3A_175 : vector<1x16xf32> to vector<16xf32>
    %swap3A_177 = vector.shape_cast %get3A_171 : vector<16xf32> to vector<1x16xf32>
    tpu.vector_store %arg15[%swap3A_173, %swap3A_174], %swap3A_177 {strides = array<i32>} : memref<40x128xf32, #tpu.memory_space<vmem>>, vector<1x16xf32>,
    %get3A_178 = arith.constant 6 : i32
    %get3A_179 = arith.index_cast %get3A_178 : i32 to index
    %get3A_180 = arith.constant 0 : index
    %get3A_181 = tpu.vector_load %arg17[%get3A_179, %get3A_180] {strides = array<i32>} : memref<40x16xf32, #tpu.memory_space<vmem>>, vector<1x16xf32>,
    %get3A_182 = vector.shape_cast %get3A_181 : vector<1x16xf32> to vector<16xf32>
    %swap3A_183 = arith.constant 6 : i32
    %swap3A_184 = arith.index_cast %swap3A_183 : i32 to index
    %swap3A_185 = arith.constant 16 : index
    %swap3A_186 = tpu.vector_load %arg15[%swap3A_184, %swap3A_185] {strides = array<i32>} : memref<40x128xf32, #tpu.memory_space<vmem>>, vector<1x16xf32>,
    %swap3A_187 = vector.shape_cast %swap3A_186 : vector<1x16xf32> to vector<16xf32>
    %swap3A_188 = vector.shape_cast %get3A_182 : vector<16xf32> to vector<1x16xf32>
    tpu.vector_store %arg15[%swap3A_184, %swap3A_185], %swap3A_188 {strides = array<i32>} : memref<40x128xf32, #tpu.memory_space<vmem>>, vector<1x16xf32>,
    %get3A_189 = arith.constant 7 : i32
    %get3A_190 = arith.index_cast %get3A_189 : i32 to index
    %get3A_191 = arith.constant 0 : index
    %get3A_192 = tpu.vector_load %arg17[%get3A_190, %get3A_191] {strides = array<i32>} : memref<40x16xf32, #tpu.memory_space<vmem>>, vector<1x16xf32>,
    %get3A_193 = vector.shape_cast %get3A_192 : vector<1x16xf32> to vector<16xf32>
    %swap3A_194 = arith.constant 7 : i32
    %swap3A_195 = arith.index_cast %swap3A_194 : i32 to index
    %swap3A_196 = arith.constant 16 : index
    %swap3A_197 = tpu.vector_load %arg15[%swap3A_195, %swap3A_196] {strides = array<i32>} : memref<40x128xf32, #tpu.memory_space<vmem>>, vector<1x16xf32>,
    %swap3A_198 = vector.shape_cast %swap3A_197 : vector<1x16xf32> to vector<16xf32>
    %swap3A_199 = vector.shape_cast %get3A_193 : vector<16xf32> to vector<1x16xf32>
    tpu.vector_store %arg15[%swap3A_195, %swap3A_196], %swap3A_199 {strides = array<i32>} : memref<40x128xf32, #tpu.memory_space<vmem>>, vector<1x16xf32>,
    %get3A_200 = arith.constant 8 : i32
    %get3A_201 = arith.index_cast %get3A_200 : i32 to index
    %get3A_202 = arith.constant 0 : index
    %get3A_203 = tpu.vector_load %arg17[%get3A_201, %get3A_202] {strides = array<i32>} : memref<40x16xf32, #tpu.memory_space<vmem>>, vector<1x16xf32>,
    %get3A_204 = vector.shape_cast %get3A_203 : vector<1x16xf32> to vector<16xf32>
    %swap3A_205 = arith.constant 8 : i32
    %swap3A_206 = arith.index_cast %swap3A_205 : i32 to index
    %swap3A_207 = arith.constant 16 : index
    %swap3A_208 = tpu.vector_load %arg15[%swap3A_206, %swap3A_207] {strides = array<i32>} : memref<40x128xf32, #tpu.memory_space<vmem>>, vector<1x16xf32>,
    %swap3A_209 = vector.shape_cast %swap3A_208 : vector<1x16xf32> to vector<16xf32>
    %swap3A_210 = vector.shape_cast %get3A_204 : vector<16xf32> to vector<1x16xf32>
    tpu.vector_store %arg15[%swap3A_206, %swap3A_207], %swap3A_210 {strides = array<i32>} : memref<40x128xf32, #tpu.memory_space<vmem>>, vector<1x16xf32>,
    %get3A_211 = arith.constant 9 : i32
    %get3A_212 = arith.index_cast %get3A_211 : i32 to index
    %get3A_213 = arith.constant 0 : index
    %get3A_214 = tpu.vector_load %arg17[%get3A_212, %get3A_213] {strides = array<i32>} : memref<40x16xf32, #tpu.memory_space<vmem>>, vector<1x16xf32>,
    %get3A_215 = vector.shape_cast %get3A_214 : vector<1x16xf32> to vector<16xf32>
    %swap3A_216 = arith.constant 9 : i32
    %swap3A_217 = arith.index_cast %swap3A_216 : i32 to index
    %swap3A_218 = arith.constant 16 : index
    %swap3A_219 = tpu.vector_load %arg15[%swap3A_217, %swap3A_218] {strides = array<i32>} : memref<40x128xf32, #tpu.memory_space<vmem>>, vector<1x16xf32>,
    %swap3A_220 = vector.shape_cast %swap3A_219 : vector<1x16xf32> to vector<16xf32>
    %swap3A_221 = vector.shape_cast %get3A_215 : vector<16xf32> to vector<1x16xf32>
    tpu.vector_store %arg15[%swap3A_217, %swap3A_218], %swap3A_221 {strides = array<i32>} : memref<40x128xf32, #tpu.memory_space<vmem>>, vector<1x16xf32>,
    %get3A_222 = arith.constant 10 : i32
    %get3A_223 = arith.index_cast %get3A_222 : i32 to index
    %get3A_224 = arith.constant 0 : index
    %get3A_225 = tpu.vector_load %arg17[%get3A_223, %get3A_224] {strides = array<i32>} : memref<40x16xf32, #tpu.memory_space<vmem>>, vector<1x16xf32>,
    %get3A_226 = vector.shape_cast %get3A_225 : vector<1x16xf32> to vector<16xf32>
    %swap3A_227 = arith.constant 10 : i32
    %swap3A_228 = arith.index_cast %swap3A_227 : i32 to index
    %swap3A_229 = arith.constant 16 : index
    %swap3A_230 = tpu.vector_load %arg15[%swap3A_228, %swap3A_229] {strides = array<i32>} : memref<40x128xf32, #tpu.memory_space<vmem>>, vector<1x16xf32>,
    %swap3A_231 = vector.shape_cast %swap3A_230 : vector<1x16xf32> to vector<16xf32>
    %swap3A_232 = vector.shape_cast %get3A_226 : vector<16xf32> to vector<1x16xf32>
    tpu.vector_store %arg15[%swap3A_228, %swap3A_229], %swap3A_232 {strides = array<i32>} : memref<40x128xf32, #tpu.memory_space<vmem>>, vector<1x16xf32>,
    %get3A_233 = arith.constant 11 : i32
    %get3A_234 = arith.index_cast %get3A_233 : i32 to index
    %get3A_235 = arith.constant 0 : index
    %get3A_236 = tpu.vector_load %arg17[%get3A_234, %get3A_235] {strides = array<i32>} : memref<40x16xf32, #tpu.memory_space<vmem>>, vector<1x16xf32>,
    %get3A_237 = vector.shape_cast %get3A_236 : vector<1x16xf32> to vector<16xf32>
    %swap3A_238 = arith.constant 11 : i32
    %swap3A_239 = arith.index_cast %swap3A_238 : i32 to index
    %swap3A_240 = arith.constant 16 : index
    %swap3A_241 = tpu.vector_load %arg15[%swap3A_239, %swap3A_240] {strides = array<i32>} : memref<40x128xf32, #tpu.memory_space<vmem>>, vector<1x16xf32>,
    %swap3A_242 = vector.shape_cast %swap3A_241 : vector<1x16xf32> to vector<16xf32>
    %swap3A_243 = vector.shape_cast %get3A_237 : vector<16xf32> to vector<1x16xf32>
    tpu.vector_store %arg15[%swap3A_239, %swap3A_240], %swap3A_243 {strides = array<i32>} : memref<40x128xf32, #tpu.memory_space<vmem>>, vector<1x16xf32>,
    %get3A_244 = arith.constant 12 : i32
    %get3A_245 = arith.index_cast %get3A_244 : i32 to index
    %get3A_246 = arith.constant 0 : index
    %get3A_247 = tpu.vector_load %arg17[%get3A_245, %get3A_246] {strides = array<i32>} : memref<40x16xf32, #tpu.memory_space<vmem>>, vector<1x16xf32>,
    %get3A_248 = vector.shape_cast %get3A_247 : vector<1x16xf32> to vector<16xf32>
    %swap3A_249 = arith.constant 12 : i32
    %swap3A_250 = arith.index_cast %swap3A_249 : i32 to index
    %swap3A_251 = arith.constant 16 : index
    %swap3A_252 = tpu.vector_load %arg15[%swap3A_250, %swap3A_251] {strides = array<i32>} : memref<40x128xf32, #tpu.memory_space<vmem>>, vector<1x16xf32>,
    %swap3A_253 = vector.shape_cast %swap3A_252 : vector<1x16xf32> to vector<16xf32>
    %swap3A_254 = vector.shape_cast %get3A_248 : vector<16xf32> to vector<1x16xf32>
    tpu.vector_store %arg15[%swap3A_250, %swap3A_251], %swap3A_254 {strides = array<i32>} : memref<40x128xf32, #tpu.memory_space<vmem>>, vector<1x16xf32>,
    %get3A_255 = arith.constant 13 : i32
    %get3A_256 = arith.index_cast %get3A_255 : i32 to index
    %get3A_257 = arith.constant 0 : index
    %get3A_258 = tpu.vector_load %arg17[%get3A_256, %get3A_257] {strides = array<i32>} : memref<40x16xf32, #tpu.memory_space<vmem>>, vector<1x16xf32>,
    %get3A_259 = vector.shape_cast %get3A_258 : vector<1x16xf32> to vector<16xf32>
    %swap3A_260 = arith.constant 13 : i32
    %swap3A_261 = arith.index_cast %swap3A_260 : i32 to index
    %swap3A_262 = arith.constant 16 : index
    %swap3A_263 = tpu.vector_load %arg15[%swap3A_261, %swap3A_262] {strides = array<i32>} : memref<40x128xf32, #tpu.memory_space<vmem>>, vector<1x16xf32>,
    %swap3A_264 = vector.shape_cast %swap3A_263 : vector<1x16xf32> to vector<16xf32>
    %swap3A_265 = vector.shape_cast %get3A_259 : vector<16xf32> to vector<1x16xf32>
    tpu.vector_store %arg15[%swap3A_261, %swap3A_262], %swap3A_265 {strides = array<i32>} : memref<40x128xf32, #tpu.memory_space<vmem>>, vector<1x16xf32>,
    %get3A_266 = arith.constant 14 : i32
    %get3A_267 = arith.index_cast %get3A_266 : i32 to index
    %get3A_268 = arith.constant 0 : index
    %get3A_269 = tpu.vector_load %arg17[%get3A_267, %get3A_268] {strides = array<i32>} : memref<40x16xf32, #tpu.memory_space<vmem>>, vector<1x16xf32>,
    %get3A_270 = vector.shape_cast %get3A_269 : vector<1x16xf32> to vector<16xf32>
    %swap3A_271 = arith.constant 14 : i32
    %swap3A_272 = arith.index_cast %swap3A_271 : i32 to index
    %swap3A_273 = arith.constant 16 : index
    %swap3A_274 = tpu.vector_load %arg15[%swap3A_272, %swap3A_273] {strides = array<i32>} : memref<40x128xf32, #tpu.memory_space<vmem>>, vector<1x16xf32>,
    %swap3A_275 = vector.shape_cast %swap3A_274 : vector<1x16xf32> to vector<16xf32>
    %swap3A_276 = vector.shape_cast %get3A_270 : vector<16xf32> to vector<1x16xf32>
    tpu.vector_store %arg15[%swap3A_272, %swap3A_273], %swap3A_276 {strides = array<i32>} : memref<40x128xf32, #tpu.memory_space<vmem>>, vector<1x16xf32>,
    %get3A_277 = arith.constant 15 : i32
    %get3A_278 = arith.index_cast %get3A_277 : i32 to index
    %get3A_279 = arith.constant 0 : index
    %get3A_280 = tpu.vector_load %arg17[%get3A_278, %get3A_279] {strides = array<i32>} : memref<40x16xf32, #tpu.memory_space<vmem>>, vector<1x16xf32>,
    %get3A_281 = vector.shape_cast %get3A_280 : vector<1x16xf32> to vector<16xf32>
    %swap3A_282 = arith.constant 15 : i32
    %swap3A_283 = arith.index_cast %swap3A_282 : i32 to index
    %swap3A_284 = arith.constant 16 : index
    %swap3A_285 = tpu.vector_load %arg15[%swap3A_283, %swap3A_284] {strides = array<i32>} : memref<40x128xf32, #tpu.memory_space<vmem>>, vector<1x16xf32>,
    %swap3A_286 = vector.shape_cast %swap3A_285 : vector<1x16xf32> to vector<16xf32>
    %swap3A_287 = vector.shape_cast %get3A_281 : vector<16xf32> to vector<1x16xf32>
    tpu.vector_store %arg15[%swap3A_283, %swap3A_284], %swap3A_287 {strides = array<i32>} : memref<40x128xf32, #tpu.memory_space<vmem>>, vector<1x16xf32>,
    %get3A_288 = arith.constant 16 : i32
    %get3A_289 = arith.index_cast %get3A_288 : i32 to index
    %get3A_290 = arith.constant 0 : index
    %get3A_291 = tpu.vector_load %arg17[%get3A_289, %get3A_290] {strides = array<i32>} : memref<40x16xf32, #tpu.memory_space<vmem>>, vector<1x16xf32>,
    %get3A_292 = vector.shape_cast %get3A_291 : vector<1x16xf32> to vector<16xf32>
    %swap3A_293 = arith.constant 16 : i32
    %swap3A_294 = arith.index_cast %swap3A_293 : i32 to index
    %swap3A_295 = arith.constant 16 : index
    %swap3A_296 = tpu.vector_load %arg15[%swap3A_294, %swap3A_295] {strides = array<i32>} : memref<40x128xf32, #tpu.memory_space<vmem>>, vector<1x16xf32>,
    %swap3A_297 = vector.shape_cast %swap3A_296 : vector<1x16xf32> to vector<16xf32>
    %swap3A_298 = vector.shape_cast %get3A_292 : vector<16xf32> to vector<1x16xf32>
    tpu.vector_store %arg15[%swap3A_294, %swap3A_295], %swap3A_298 {strides = array<i32>} : memref<40x128xf32, #tpu.memory_space<vmem>>, vector<1x16xf32>,
    %get3A_299 = arith.constant 17 : i32
    %get3A_300 = arith.index_cast %get3A_299 : i32 to index
    %get3A_301 = arith.constant 0 : index
    %get3A_302 = tpu.vector_load %arg17[%get3A_300, %get3A_301] {strides = array<i32>} : memref<40x16xf32, #tpu.memory_space<vmem>>, vector<1x16xf32>,
    %get3A_303 = vector.shape_cast %get3A_302 : vector<1x16xf32> to vector<16xf32>
    %swap3A_304 = arith.constant 17 : i32
    %swap3A_305 = arith.index_cast %swap3A_304 : i32 to index
    %swap3A_306 = arith.constant 16 : index
    %swap3A_307 = tpu.vector_load %arg15[%swap3A_305, %swap3A_306] {strides = array<i32>} : memref<40x128xf32, #tpu.memory_space<vmem>>, vector<1x16xf32>,
    %swap3A_308 = vector.shape_cast %swap3A_307 : vector<1x16xf32> to vector<16xf32>
    %swap3A_309 = vector.shape_cast %get3A_303 : vector<16xf32> to vector<1x16xf32>
    tpu.vector_store %arg15[%swap3A_305, %swap3A_306], %swap3A_309 {strides = array<i32>} : memref<40x128xf32, #tpu.memory_space<vmem>>, vector<1x16xf32>,
    %get3A_310 = arith.constant 18 : i32
    %get3A_311 = arith.index_cast %get3A_310 : i32 to index
    %get3A_312 = arith.constant 0 : index
    %get3A_313 = tpu.vector_load %arg17[%get3A_311, %get3A_312] {strides = array<i32>} : memref<40x16xf32, #tpu.memory_space<vmem>>, vector<1x16xf32>,
    %get3A_314 = vector.shape_cast %get3A_313 : vector<1x16xf32> to vector<16xf32>
    %swap3A_315 = arith.constant 18 : i32
    %swap3A_316 = arith.index_cast %swap3A_315 : i32 to index
    %swap3A_317 = arith.constant 16 : index
    %swap3A_318 = tpu.vector_load %arg15[%swap3A_316, %swap3A_317] {strides = array<i32>} : memref<40x128xf32, #tpu.memory_space<vmem>>, vector<1x16xf32>,
    %swap3A_319 = vector.shape_cast %swap3A_318 : vector<1x16xf32> to vector<16xf32>
    %swap3A_320 = vector.shape_cast %get3A_314 : vector<16xf32> to vector<1x16xf32>
    tpu.vector_store %arg15[%swap3A_316, %swap3A_317], %swap3A_320 {strides = array<i32>} : memref<40x128xf32, #tpu.memory_space<vmem>>, vector<1x16xf32>,
    %get3A_321 = arith.constant 19 : i32
    %get3A_322 = arith.index_cast %get3A_321 : i32 to index
    %get3A_323 = arith.constant 0 : index
    %get3A_324 = tpu.vector_load %arg17[%get3A_322, %get3A_323] {strides = array<i32>} : memref<40x16xf32, #tpu.memory_space<vmem>>, vector<1x16xf32>,
    %get3A_325 = vector.shape_cast %get3A_324 : vector<1x16xf32> to vector<16xf32>
    %swap3A_326 = arith.constant 19 : i32
    %swap3A_327 = arith.index_cast %swap3A_326 : i32 to index
    %swap3A_328 = arith.constant 16 : index
    %swap3A_329 = tpu.vector_load %arg15[%swap3A_327, %swap3A_328] {strides = array<i32>} : memref<40x128xf32, #tpu.memory_space<vmem>>, vector<1x16xf32>,
    %swap3A_330 = vector.shape_cast %swap3A_329 : vector<1x16xf32> to vector<16xf32>
    %swap3A_331 = vector.shape_cast %get3A_325 : vector<16xf32> to vector<1x16xf32>
    tpu.vector_store %arg15[%swap3A_327, %swap3A_328], %swap3A_331 {strides = array<i32>} : memref<40x128xf32, #tpu.memory_space<vmem>>, vector<1x16xf32>,
    %get3A_332 = arith.constant 20 : i32
    %get3A_333 = arith.index_cast %get3A_332 : i32 to index
    %get3A_334 = arith.constant 0 : index
    %get3A_335 = tpu.vector_load %arg17[%get3A_333, %get3A_334] {strides = array<i32>} : memref<40x16xf32, #tpu.memory_space<vmem>>, vector<1x16xf32>,
    %get3A_336 = vector.shape_cast %get3A_335 : vector<1x16xf32> to vector<16xf32>
    %swap3A_337 = arith.constant 20 : i32
    %swap3A_338 = arith.index_cast %swap3A_337 : i32 to index
    %swap3A_339 = arith.constant 16 : index
    %swap3A_340 = tpu.vector_load %arg15[%swap3A_338, %swap3A_339] {strides = array<i32>} : memref<40x128xf32, #tpu.memory_space<vmem>>, vector<1x16xf32>,
    %swap3A_341 = vector.shape_cast %swap3A_340 : vector<1x16xf32> to vector<16xf32>
    %swap3A_342 = vector.shape_cast %get3A_336 : vector<16xf32> to vector<1x16xf32>
    tpu.vector_store %arg15[%swap3A_338, %swap3A_339], %swap3A_342 {strides = array<i32>} : memref<40x128xf32, #tpu.memory_space<vmem>>, vector<1x16xf32>,
    %get3A_343 = arith.constant 21 : i32
    %get3A_344 = arith.index_cast %get3A_343 : i32 to index
    %get3A_345 = arith.constant 0 : index
    %get3A_346 = tpu.vector_load %arg17[%get3A_344, %get3A_345] {strides = array<i32>} : memref<40x16xf32, #tpu.memory_space<vmem>>, vector<1x16xf32>,
    %get3A_347 = vector.shape_cast %get3A_346 : vector<1x16xf32> to vector<16xf32>
    %swap3A_348 = arith.constant 21 : i32
    %swap3A_349 = arith.index_cast %swap3A_348 : i32 to index
    %swap3A_350 = arith.constant 16 : index
    %swap3A_351 = tpu.vector_load %arg15[%swap3A_349, %swap3A_350] {strides = array<i32>} : memref<40x128xf32, #tpu.memory_space<vmem>>, vector<1x16xf32>,
    %swap3A_352 = vector.shape_cast %swap3A_351 : vector<1x16xf32> to vector<16xf32>
    %swap3A_353 = vector.shape_cast %get3A_347 : vector<16xf32> to vector<1x16xf32>
    tpu.vector_store %arg15[%swap3A_349, %swap3A_350], %swap3A_353 {strides = array<i32>} : memref<40x128xf32, #tpu.memory_space<vmem>>, vector<1x16xf32>,
    %get3A_354 = arith.constant 22 : i32
    %get3A_355 = arith.index_cast %get3A_354 : i32 to index
    %get3A_356 = arith.constant 0 : index
    %get3A_357 = tpu.vector_load %arg17[%get3A_355, %get3A_356] {strides = array<i32>} : memref<40x16xf32, #tpu.memory_space<vmem>>, vector<1x16xf32>,
    %get3A_358 = vector.shape_cast %get3A_357 : vector<1x16xf32> to vector<16xf32>
    %swap3A_359 = arith.constant 22 : i32
    %swap3A_360 = arith.index_cast %swap3A_359 : i32 to index
    %swap3A_361 = arith.constant 16 : index
    %swap3A_362 = tpu.vector_load %arg15[%swap3A_360, %swap3A_361] {strides = array<i32>} : memref<40x128xf32, #tpu.memory_space<vmem>>, vector<1x16xf32>,
    %swap3A_363 = vector.shape_cast %swap3A_362 : vector<1x16xf32> to vector<16xf32>
    %swap3A_364 = vector.shape_cast %get3A_358 : vector<16xf32> to vector<1x16xf32>
    tpu.vector_store %arg15[%swap3A_360, %swap3A_361], %swap3A_364 {strides = array<i32>} : memref<40x128xf32, #tpu.memory_space<vmem>>, vector<1x16xf32>,
    %get3A_365 = arith.constant 23 : i32
    %get3A_366 = arith.index_cast %get3A_365 : i32 to index
    %get3A_367 = arith.constant 0 : index
    %get3A_368 = tpu.vector_load %arg17[%get3A_366, %get3A_367] {strides = array<i32>} : memref<40x16xf32, #tpu.memory_space<vmem>>, vector<1x16xf32>,
    %get3A_369 = vector.shape_cast %get3A_368 : vector<1x16xf32> to vector<16xf32>
    %swap3A_370 = arith.constant 23 : i32
    %swap3A_371 = arith.index_cast %swap3A_370 : i32 to index
    %swap3A_372 = arith.constant 16 : index
    %swap3A_373 = tpu.vector_load %arg15[%swap3A_371, %swap3A_372] {strides = array<i32>} : memref<40x128xf32, #tpu.memory_space<vmem>>, vector<1x16xf32>,
    %swap3A_374 = vector.shape_cast %swap3A_373 : vector<1x16xf32> to vector<16xf32>
    %swap3A_375 = vector.shape_cast %get3A_369 : vector<16xf32> to vector<1x16xf32>
    tpu.vector_store %arg15[%swap3A_371, %swap3A_372], %swap3A_375 {strides = array<i32>} : memref<40x128xf32, #tpu.memory_space<vmem>>, vector<1x16xf32>,
    %get3A_376 = arith.constant 24 : i32
    %get3A_377 = arith.index_cast %get3A_376 : i32 to index
    %get3A_378 = arith.constant 0 : index
    %get3A_379 = tpu.vector_load %arg17[%get3A_377, %get3A_378] {strides = array<i32>} : memref<40x16xf32, #tpu.memory_space<vmem>>, vector<1x16xf32>,
    %get3A_380 = vector.shape_cast %get3A_379 : vector<1x16xf32> to vector<16xf32>
    %swap3A_381 = arith.constant 24 : i32
    %swap3A_382 = arith.index_cast %swap3A_381 : i32 to index
    %swap3A_383 = arith.constant 16 : index
    %swap3A_384 = tpu.vector_load %arg15[%swap3A_382, %swap3A_383] {strides = array<i32>} : memref<40x128xf32, #tpu.memory_space<vmem>>, vector<1x16xf32>,
    %swap3A_385 = vector.shape_cast %swap3A_384 : vector<1x16xf32> to vector<16xf32>
    %swap3A_386 = vector.shape_cast %get3A_380 : vector<16xf32> to vector<1x16xf32>
    tpu.vector_store %arg15[%swap3A_382, %swap3A_383], %swap3A_386 {strides = array<i32>} : memref<40x128xf32, #tpu.memory_space<vmem>>, vector<1x16xf32>,
    %get3A_387 = arith.constant 25 : i32
    %get3A_388 = arith.index_cast %get3A_387 : i32 to index
    %get3A_389 = arith.constant 0 : index
    %get3A_390 = tpu.vector_load %arg17[%get3A_388, %get3A_389] {strides = array<i32>} : memref<40x16xf32, #tpu.memory_space<vmem>>, vector<1x16xf32>,
    %get3A_391 = vector.shape_cast %get3A_390 : vector<1x16xf32> to vector<16xf32>
    %swap3A_392 = arith.constant 25 : i32
    %swap3A_393 = arith.index_cast %swap3A_392 : i32 to index
    %swap3A_394 = arith.constant 16 : index
    %swap3A_395 = tpu.vector_load %arg15[%swap3A_393, %swap3A_394] {strides = array<i32>} : memref<40x128xf32, #tpu.memory_space<vmem>>, vector<1x16xf32>,
    %swap3A_396 = vector.shape_cast %swap3A_395 : vector<1x16xf32> to vector<16xf32>
    %swap3A_397 = vector.shape_cast %get3A_391 : vector<16xf32> to vector<1x16xf32>
    tpu.vector_store %arg15[%swap3A_393, %swap3A_394], %swap3A_397 {strides = array<i32>} : memref<40x128xf32, #tpu.memory_space<vmem>>, vector<1x16xf32>,
    %get3A_398 = arith.constant 26 : i32
    %get3A_399 = arith.index_cast %get3A_398 : i32 to index
    %get3A_400 = arith.constant 0 : index
    %get3A_401 = tpu.vector_load %arg17[%get3A_399, %get3A_400] {strides = array<i32>} : memref<40x16xf32, #tpu.memory_space<vmem>>, vector<1x16xf32>,
    %get3A_402 = vector.shape_cast %get3A_401 : vector<1x16xf32> to vector<16xf32>
    %swap3A_403 = arith.constant 26 : i32
    %swap3A_404 = arith.index_cast %swap3A_403 : i32 to index
    %swap3A_405 = arith.constant 16 : index
    %swap3A_406 = tpu.vector_load %arg15[%swap3A_404, %swap3A_405] {strides = array<i32>} : memref<40x128xf32, #tpu.memory_space<vmem>>, vector<1x16xf32>,
    %swap3A_407 = vector.shape_cast %swap3A_406 : vector<1x16xf32> to vector<16xf32>
    %swap3A_408 = vector.shape_cast %get3A_402 : vector<16xf32> to vector<1x16xf32>
    tpu.vector_store %arg15[%swap3A_404, %swap3A_405], %swap3A_408 {strides = array<i32>} : memref<40x128xf32, #tpu.memory_space<vmem>>, vector<1x16xf32>,
    %get3A_409 = arith.constant 27 : i32
    %get3A_410 = arith.index_cast %get3A_409 : i32 to index
    %get3A_411 = arith.constant 0 : index
    %get3A_412 = tpu.vector_load %arg17[%get3A_410, %get3A_411] {strides = array<i32>} : memref<40x16xf32, #tpu.memory_space<vmem>>, vector<1x16xf32>,
    %get3A_413 = vector.shape_cast %get3A_412 : vector<1x16xf32> to vector<16xf32>
    %swap3A_414 = arith.constant 27 : i32
    %swap3A_415 = arith.index_cast %swap3A_414 : i32 to index
    %swap3A_416 = arith.constant 16 : index
    %swap3A_417 = tpu.vector_load %arg15[%swap3A_415, %swap3A_416] {strides = array<i32>} : memref<40x128xf32, #tpu.memory_space<vmem>>, vector<1x16xf32>,
    %swap3A_418 = vector.shape_cast %swap3A_417 : vector<1x16xf32> to vector<16xf32>
    %swap3A_419 = vector.shape_cast %get3A_413 : vector<16xf32> to vector<1x16xf32>
    tpu.vector_store %arg15[%swap3A_415, %swap3A_416], %swap3A_419 {strides = array<i32>} : memref<40x128xf32, #tpu.memory_space<vmem>>, vector<1x16xf32>,
    %get3A_420 = arith.constant 28 : i32
    %get3A_421 = arith.index_cast %get3A_420 : i32 to index
    %get3A_422 = arith.constant 0 : index
    %get3A_423 = tpu.vector_load %arg17[%get3A_421, %get3A_422] {strides = array<i32>} : memref<40x16xf32, #tpu.memory_space<vmem>>, vector<1x16xf32>,
    %get3A_424 = vector.shape_cast %get3A_423 : vector<1x16xf32> to vector<16xf32>
    %swap3A_425 = arith.constant 28 : i32
    %swap3A_426 = arith.index_cast %swap3A_425 : i32 to index
    %swap3A_427 = arith.constant 16 : index
    %swap3A_428 = tpu.vector_load %arg15[%swap3A_426, %swap3A_427] {strides = array<i32>} : memref<40x128xf32, #tpu.memory_space<vmem>>, vector<1x16xf32>,
    %swap3A_429 = vector.shape_cast %swap3A_428 : vector<1x16xf32> to vector<16xf32>
    %swap3A_430 = vector.shape_cast %get3A_424 : vector<16xf32> to vector<1x16xf32>
    tpu.vector_store %arg15[%swap3A_426, %swap3A_427], %swap3A_430 {strides = array<i32>} : memref<40x128xf32, #tpu.memory_space<vmem>>, vector<1x16xf32>,
    %get3A_431 = arith.constant 29 : i32
    %get3A_432 = arith.index_cast %get3A_431 : i32 to index
    %get3A_433 = arith.constant 0 : index
    %get3A_434 = tpu.vector_load %arg17[%get3A_432, %get3A_433] {strides = array<i32>} : memref<40x16xf32, #tpu.memory_space<vmem>>, vector<1x16xf32>,
    %get3A_435 = vector.shape_cast %get3A_434 : vector<1x16xf32> to vector<16xf32>
    %swap3A_436 = arith.constant 29 : i32
    %swap3A_437 = arith.index_cast %swap3A_436 : i32 to index
    %swap3A_438 = arith.constant 16 : index
    %swap3A_439 = tpu.vector_load %arg15[%swap3A_437, %swap3A_438] {strides = array<i32>} : memref<40x128xf32, #tpu.memory_space<vmem>>, vector<1x16xf32>,
    %swap3A_440 = vector.shape_cast %swap3A_439 : vector<1x16xf32> to vector<16xf32>
    %swap3A_441 = vector.shape_cast %get3A_435 : vector<16xf32> to vector<1x16xf32>
    tpu.vector_store %arg15[%swap3A_437, %swap3A_438], %swap3A_441 {strides = array<i32>} : memref<40x128xf32, #tpu.memory_space<vmem>>, vector<1x16xf32>,
    %get3A_442 = arith.constant 30 : i32
    %get3A_443 = arith.index_cast %get3A_442 : i32 to index
    %get3A_444 = arith.constant 0 : index
    %get3A_445 = tpu.vector_load %arg17[%get3A_443, %get3A_444] {strides = array<i32>} : memref<40x16xf32, #tpu.memory_space<vmem>>, vector<1x16xf32>,
    %get3A_446 = vector.shape_cast %get3A_445 : vector<1x16xf32> to vector<16xf32>
    %swap3A_447 = arith.constant 30 : i32
    %swap3A_448 = arith.index_cast %swap3A_447 : i32 to index
    %swap3A_449 = arith.constant 16 : index
    %swap3A_450 = tpu.vector_load %arg15[%swap3A_448, %swap3A_449] {strides = array<i32>} : memref<40x128xf32, #tpu.memory_space<vmem>>, vector<1x16xf32>,
    %swap3A_451 = vector.shape_cast %swap3A_450 : vector<1x16xf32> to vector<16xf32>
    %swap3A_452 = vector.shape_cast %get3A_446 : vector<16xf32> to vector<1x16xf32>
    tpu.vector_store %arg15[%swap3A_448, %swap3A_449], %swap3A_452 {strides = array<i32>} : memref<40x128xf32, #tpu.memory_space<vmem>>, vector<1x16xf32>,
    %get3A_453 = arith.constant 31 : i32
    %get3A_454 = arith.index_cast %get3A_453 : i32 to index
    %get3A_455 = arith.constant 0 : index
    %get3A_456 = tpu.vector_load %arg17[%get3A_454, %get3A_455] {strides = array<i32>} : memref<40x16xf32, #tpu.memory_space<vmem>>, vector<1x16xf32>,
    %get3A_457 = vector.shape_cast %get3A_456 : vector<1x16xf32> to vector<16xf32>
    %swap3A_458 = arith.constant 31 : i32
    %swap3A_459 = arith.index_cast %swap3A_458 : i32 to index
    %swap3A_460 = arith.constant 16 : index
    %swap3A_461 = tpu.vector_load %arg15[%swap3A_459, %swap3A_460] {strides = array<i32>} : memref<40x128xf32, #tpu.memory_space<vmem>>, vector<1x16xf32>,
    %swap3A_462 = vector.shape_cast %swap3A_461 : vector<1x16xf32> to vector<16xf32>
    %swap3A_463 = vector.shape_cast %get3A_457 : vector<16xf32> to vector<1x16xf32>
    tpu.vector_store %arg15[%swap3A_459, %swap3A_460], %swap3A_463 {strides = array<i32>} : memref<40x128xf32, #tpu.memory_space<vmem>>, vector<1x16xf32>,
    %get3A_464 = arith.constant 32 : i32
    %get3A_465 = arith.index_cast %get3A_464 : i32 to index
    %get3A_466 = arith.constant 0 : index
    %get3A_467 = tpu.vector_load %arg17[%get3A_465, %get3A_466] {strides = array<i32>} : memref<40x16xf32, #tpu.memory_space<vmem>>, vector<1x16xf32>,
    %get3A_468 = vector.shape_cast %get3A_467 : vector<1x16xf32> to vector<16xf32>
    %swap3A_469 = arith.constant 32 : i32
    %swap3A_470 = arith.index_cast %swap3A_469 : i32 to index
    %swap3A_471 = arith.constant 16 : index
    %swap3A_472 = tpu.vector_load %arg15[%swap3A_470, %swap3A_471] {strides = array<i32>} : memref<40x128xf32, #tpu.memory_space<vmem>>, vector<1x16xf32>,
    %swap3A_473 = vector.shape_cast %swap3A_472 : vector<1x16xf32> to vector<16xf32>
    %swap3A_474 = vector.shape_cast %get3A_468 : vector<16xf32> to vector<1x16xf32>
    tpu.vector_store %arg15[%swap3A_470, %swap3A_471], %swap3A_474 {strides = array<i32>} : memref<40x128xf32, #tpu.memory_space<vmem>>, vector<1x16xf32>,
    %get3A_475 = arith.constant 33 : i32
    %get3A_476 = arith.index_cast %get3A_475 : i32 to index
    %get3A_477 = arith.constant 0 : index
    %get3A_478 = tpu.vector_load %arg17[%get3A_476, %get3A_477] {strides = array<i32>} : memref<40x16xf32, #tpu.memory_space<vmem>>, vector<1x16xf32>,
    %get3A_479 = vector.shape_cast %get3A_478 : vector<1x16xf32> to vector<16xf32>
    %swap3A_480 = arith.constant 33 : i32
    %swap3A_481 = arith.index_cast %swap3A_480 : i32 to index
    %swap3A_482 = arith.constant 16 : index
    %swap3A_483 = tpu.vector_load %arg15[%swap3A_481, %swap3A_482] {strides = array<i32>} : memref<40x128xf32, #tpu.memory_space<vmem>>, vector<1x16xf32>,
    %swap3A_484 = vector.shape_cast %swap3A_483 : vector<1x16xf32> to vector<16xf32>
    %swap3A_485 = vector.shape_cast %get3A_479 : vector<16xf32> to vector<1x16xf32>
    tpu.vector_store %arg15[%swap3A_481, %swap3A_482], %swap3A_485 {strides = array<i32>} : memref<40x128xf32, #tpu.memory_space<vmem>>, vector<1x16xf32>,
    %get3A_486 = arith.constant 34 : i32
    %get3A_487 = arith.index_cast %get3A_486 : i32 to index
    %get3A_488 = arith.constant 0 : index
    %get3A_489 = tpu.vector_load %arg17[%get3A_487, %get3A_488] {strides = array<i32>} : memref<40x16xf32, #tpu.memory_space<vmem>>, vector<1x16xf32>,
    %get3A_490 = vector.shape_cast %get3A_489 : vector<1x16xf32> to vector<16xf32>
    %swap3A_491 = arith.constant 34 : i32
    %swap3A_492 = arith.index_cast %swap3A_491 : i32 to index
    %swap3A_493 = arith.constant 16 : index
    %swap3A_494 = tpu.vector_load %arg15[%swap3A_492, %swap3A_493] {strides = array<i32>} : memref<40x128xf32, #tpu.memory_space<vmem>>, vector<1x16xf32>,
    %swap3A_495 = vector.shape_cast %swap3A_494 : vector<1x16xf32> to vector<16xf32>
    %swap3A_496 = vector.shape_cast %get3A_490 : vector<16xf32> to vector<1x16xf32>
    tpu.vector_store %arg15[%swap3A_492, %swap3A_493], %swap3A_496 {strides = array<i32>} : memref<40x128xf32, #tpu.memory_space<vmem>>, vector<1x16xf32>,
    %get3A_497 = arith.constant 35 : i32
    %get3A_498 = arith.index_cast %get3A_497 : i32 to index
    %get3A_499 = arith.constant 0 : index
    %get3A_500 = tpu.vector_load %arg17[%get3A_498, %get3A_499] {strides = array<i32>} : memref<40x16xf32, #tpu.memory_space<vmem>>, vector<1x16xf32>,
    %get3A_501 = vector.shape_cast %get3A_500 : vector<1x16xf32> to vector<16xf32>
    %swap3A_502 = arith.constant 35 : i32
    %swap3A_503 = arith.index_cast %swap3A_502 : i32 to index
    %swap3A_504 = arith.constant 16 : index
    %swap3A_505 = tpu.vector_load %arg15[%swap3A_503, %swap3A_504] {strides = array<i32>} : memref<40x128xf32, #tpu.memory_space<vmem>>, vector<1x16xf32>,
    %swap3A_506 = vector.shape_cast %swap3A_505 : vector<1x16xf32> to vector<16xf32>
    %swap3A_507 = vector.shape_cast %get3A_501 : vector<16xf32> to vector<1x16xf32>
    tpu.vector_store %arg15[%swap3A_503, %swap3A_504], %swap3A_507 {strides = array<i32>} : memref<40x128xf32, #tpu.memory_space<vmem>>, vector<1x16xf32>,
    %get3A_508 = arith.constant 36 : i32
    %get3A_509 = arith.index_cast %get3A_508 : i32 to index
    %get3A_510 = arith.constant 0 : index
    %get3A_511 = tpu.vector_load %arg17[%get3A_509, %get3A_510] {strides = array<i32>} : memref<40x16xf32, #tpu.memory_space<vmem>>, vector<1x16xf32>,
    %get3A_512 = vector.shape_cast %get3A_511 : vector<1x16xf32> to vector<16xf32>
    %swap3A_513 = arith.constant 36 : i32
    %swap3A_514 = arith.index_cast %swap3A_513 : i32 to index
    %swap3A_515 = arith.constant 16 : index
    %swap3A_516 = tpu.vector_load %arg15[%swap3A_514, %swap3A_515] {strides = array<i32>} : memref<40x128xf32, #tpu.memory_space<vmem>>, vector<1x16xf32>,
    %swap3A_517 = vector.shape_cast %swap3A_516 : vector<1x16xf32> to vector<16xf32>
    %swap3A_518 = vector.shape_cast %get3A_512 : vector<16xf32> to vector<1x16xf32>
    tpu.vector_store %arg15[%swap3A_514, %swap3A_515], %swap3A_518 {strides = array<i32>} : memref<40x128xf32, #tpu.memory_space<vmem>>, vector<1x16xf32>,
    %get3A_519 = arith.constant 37 : i32
    %get3A_520 = arith.index_cast %get3A_519 : i32 to index
    %get3A_521 = arith.constant 0 : index
    %get3A_522 = tpu.vector_load %arg17[%get3A_520, %get3A_521] {strides = array<i32>} : memref<40x16xf32, #tpu.memory_space<vmem>>, vector<1x16xf32>,
    %get3A_523 = vector.shape_cast %get3A_522 : vector<1x16xf32> to vector<16xf32>
    %swap3A_524 = arith.constant 37 : i32
    %swap3A_525 = arith.index_cast %swap3A_524 : i32 to index
    %swap3A_526 = arith.constant 16 : index
    %swap3A_527 = tpu.vector_load %arg15[%swap3A_525, %swap3A_526] {strides = array<i32>} : memref<40x128xf32, #tpu.memory_space<vmem>>, vector<1x16xf32>,
    %swap3A_528 = vector.shape_cast %swap3A_527 : vector<1x16xf32> to vector<16xf32>
    %swap3A_529 = vector.shape_cast %get3A_523 : vector<16xf32> to vector<1x16xf32>
    tpu.vector_store %arg15[%swap3A_525, %swap3A_526], %swap3A_529 {strides = array<i32>} : memref<40x128xf32, #tpu.memory_space<vmem>>, vector<1x16xf32>,
    %get3A_530 = arith.constant 38 : i32
    %get3A_531 = arith.index_cast %get3A_530 : i32 to index
    %get3A_532 = arith.constant 0 : index
    %get3A_533 = tpu.vector_load %arg17[%get3A_531, %get3A_532] {strides = array<i32>} : memref<40x16xf32, #tpu.memory_space<vmem>>, vector<1x16xf32>,
    %get3A_534 = vector.shape_cast %get3A_533 : vector<1x16xf32> to vector<16xf32>
    %swap3A_535 = arith.constant 38 : i32
    %swap3A_536 = arith.index_cast %swap3A_535 : i32 to index
    %swap3A_537 = arith.constant 16 : index
    %swap3A_538 = tpu.vector_load %arg15[%swap3A_536, %swap3A_537] {strides = array<i32>} : memref<40x128xf32, #tpu.memory_space<vmem>>, vector<1x16xf32>,
    %swap3A_539 = vector.shape_cast %swap3A_538 : vector<1x16xf32> to vector<16xf32>
    %swap3A_540 = vector.shape_cast %get3A_534 : vector<16xf32> to vector<1x16xf32>
    tpu.vector_store %arg15[%swap3A_536, %swap3A_537], %swap3A_540 {strides = array<i32>} : memref<40x128xf32, #tpu.memory_space<vmem>>, vector<1x16xf32>,
    %get3A_541 = arith.constant 39 : i32
    %get3A_542 = arith.index_cast %get3A_541 : i32 to index
    %get3A_543 = arith.constant 0 : index
    %get3A_544 = tpu.vector_load %arg17[%get3A_542, %get3A_543] {strides = array<i32>} : memref<40x16xf32, #tpu.memory_space<vmem>>, vector<1x16xf32>,
    %get3A_545 = vector.shape_cast %get3A_544 : vector<1x16xf32> to vector<16xf32>
    %swap3A_546 = arith.constant 39 : i32
    %swap3A_547 = arith.index_cast %swap3A_546 : i32 to index
    %swap3A_548 = arith.constant 16 : index
    %swap3A_549 = tpu.vector_load %arg15[%swap3A_547, %swap3A_548] {strides = array<i32>} : memref<40x128xf32, #tpu.memory_space<vmem>>, vector<1x16xf32>,
    %swap3A_550 = vector.shape_cast %swap3A_549 : vector<1x16xf32> to vector<16xf32>
    %swap3A_551 = vector.shape_cast %get3A_545 : vector<16xf32> to vector<1x16xf32>
    tpu.vector_store %arg15[%swap3A_547, %swap3A_548], %swap3A_551 {strides = array<i32>} : memref<40x128xf32, #tpu.memory_space<vmem>>, vector<1x16xf32>,
    %barrier3A_552 = arith.constant 0 : index
    tpu.barrier barrier_id(%barrier3A_552)
    %scan3A_553 = arith.constant 0 : i32
    %scan3A_554 = arith.constant 250 : i32
    %scan3A_555 = arith.addi %scan3A_553, %scan3A_554 : i32
    %scan3A_556 = arith.constant 1 : i32
    scf.for %scan3A_579 = %scan3A_553 to %scan3A_555 step %scan3A_556  : i32 {
      %mul3A_580 = arith.constant 1 : i32
      %mul3A_581 = arith.muli %scan3A_579, %mul3A_580 : i32
      %add3A_582 = arith.constant 0 : i32
      %add3A_583 = arith.addi %add3A_582, %mul3A_581 : i32
      %mul3A_584 = arith.constant 40 : i32
      %mul3A_585 = arith.muli %add3A_583, %mul3A_584 : i32
      %add3A_586 = arith.addi %mul3A_2, %mul3A_585 : i32
      "tpu.region"() ({
        %run_scoped3A = tpu.sem_alloc : memref<!tpu.dma_semaphore, #tpu.memory_space<semaphore_mem>>
        %dma_start3A = tpu.memref_slice %arg5[%add3A_586] : memref<320000xi32, #tpu.memory_space<hbm>> -> memref<40xi32, #tpu.memory_space<hbm>>
        %dma_start3A_1027 = tpu.memref_slice %arg5[%add3A_586] : memref<320000xi32, #tpu.memory_space<hbm>> -> memref<40xi32, #tpu.memory_space<hbm>>
        tpu.enqueue_dma source(%dma_start3A_1027 : memref<40xi32, #tpu.memory_space<hbm>>) target(%arg13 : memref<40xi32, #tpu.memory_space<vmem>>) target_semaphore(%run_scoped3A : memref<!tpu.dma_semaphore, #tpu.memory_space<semaphore_mem>>)
        %dma_wait3A = tpu.memref_slice %arg5[%add3A_586] : memref<320000xi32, #tpu.memory_space<hbm>> -> memref<40xi32, #tpu.memory_space<hbm>>
        %dma_wait3A_1028 = tpu.memref_slice %arg5[%add3A_586] : memref<320000xi32, #tpu.memory_space<hbm>> -> memref<40xi32, #tpu.memory_space<hbm>>
        tpu.wait_dma2 semaphore(%run_scoped3A : memref<!tpu.dma_semaphore, #tpu.memory_space<semaphore_mem>>) src(%dma_wait3A_1028 : memref<40xi32, #tpu.memory_space<hbm>>) dst(%arg13 : memref<40xi32, #tpu.memory_space<vmem>>)
        tpu.yield
      }) : () -> ()
      "tpu.region"() ({
        %run_scoped3A = tpu.sem_alloc : memref<!tpu.dma_semaphore, #tpu.memory_space<semaphore_mem>>
        %dma_start3A = arith.constant 0 : i32
        %dma_start3A_1027 = tpu.memref_slice %arg3[%add3A_586, %dma_start3A] : memref<320000x16xf32, #tpu.memory_space<hbm>> -> memref<40x16xf32, #tpu.memory_space<hbm>>
        %dma_start3A_1028 = arith.constant 0 : i32
        %dma_start3A_1029 = tpu.memref_slice %arg3[%add3A_586, %dma_start3A_1028] : memref<320000x16xf32, #tpu.memory_space<hbm>> -> memref<40x16xf32, #tpu.memory_space<hbm>>
        tpu.enqueue_dma source(%dma_start3A_1029 : memref<40x16xf32, #tpu.memory_space<hbm>>) target(%arg16 : memref<40x16xf32, #tpu.memory_space<vmem>>) target_semaphore(%run_scoped3A : memref<!tpu.dma_semaphore, #tpu.memory_space<semaphore_mem>>)
        %dma_wait3A = arith.constant 0 : i32
        %dma_wait3A_1030 = tpu.memref_slice %arg3[%add3A_586, %dma_wait3A] : memref<320000x16xf32, #tpu.memory_space<hbm>> -> memref<40x16xf32, #tpu.memory_space<hbm>>
        %dma_wait3A_1031 = arith.constant 0 : i32
        %dma_wait3A_1032 = tpu.memref_slice %arg3[%add3A_586, %dma_wait3A_1031] : memref<320000x16xf32, #tpu.memory_space<hbm>> -> memref<40x16xf32, #tpu.memory_space<hbm>>
        tpu.wait_dma2 semaphore(%run_scoped3A : memref<!tpu.dma_semaphore, #tpu.memory_space<semaphore_mem>>) src(%dma_wait3A_1032 : memref<40x16xf32, #tpu.memory_space<hbm>>) dst(%arg16 : memref<40x16xf32, #tpu.memory_space<vmem>>)
        tpu.yield
      }) : () -> ()
      %get3A_587 = arith.constant 0 : i32
      %get3A_588 = arith.index_cast %get3A_587 : i32 to index
      %get3A_589 = arith.constant 0 : index
      %get3A_590 = tpu.vector_load %arg16[%get3A_588, %get3A_589] {strides = array<i32>} : memref<40x16xf32, #tpu.memory_space<vmem>>, vector<1x16xf32>,
      %get3A_591 = vector.shape_cast %get3A_590 : vector<1x16xf32> to vector<16xf32>
      %swap3A_592 = arith.constant 0 : i32
      %swap3A_593 = arith.index_cast %swap3A_592 : i32 to index
      %swap3A_594 = arith.constant 0 : index
      %swap3A_595 = tpu.vector_load %arg15[%swap3A_593, %swap3A_594] {strides = array<i32>} : memref<40x128xf32, #tpu.memory_space<vmem>>, vector<1x16xf32>,
      %swap3A_596 = vector.shape_cast %swap3A_595 : vector<1x16xf32> to vector<16xf32>
      %swap3A_597 = vector.shape_cast %get3A_591 : vector<16xf32> to vector<1x16xf32>
      tpu.vector_store %arg15[%swap3A_593, %swap3A_594], %swap3A_597 {strides = array<i32>} : memref<40x128xf32, #tpu.memory_space<vmem>>, vector<1x16xf32>,
      %get3A_598 = arith.constant 1 : i32
      %get3A_599 = arith.index_cast %get3A_598 : i32 to index
      %get3A_600 = arith.constant 0 : index
      %get3A_601 = tpu.vector_load %arg16[%get3A_599, %get3A_600] {strides = array<i32>} : memref<40x16xf32, #tpu.memory_space<vmem>>, vector<1x16xf32>,
      %get3A_602 = vector.shape_cast %get3A_601 : vector<1x16xf32> to vector<16xf32>
      %swap3A_603 = arith.constant 1 : i32
      %swap3A_604 = arith.index_cast %swap3A_603 : i32 to index
      %swap3A_605 = arith.constant 0 : index
      %swap3A_606 = tpu.vector_load %arg15[%swap3A_604, %swap3A_605] {strides = array<i32>} : memref<40x128xf32, #tpu.memory_space<vmem>>, vector<1x16xf32>,
      %swap3A_607 = vector.shape_cast %swap3A_606 : vector<1x16xf32> to vector<16xf32>
      %swap3A_608 = vector.shape_cast %get3A_602 : vector<16xf32> to vector<1x16xf32>
      tpu.vector_store %arg15[%swap3A_604, %swap3A_605], %swap3A_608 {strides = array<i32>} : memref<40x128xf32, #tpu.memory_space<vmem>>, vector<1x16xf32>,
      %get3A_609 = arith.constant 2 : i32
      %get3A_610 = arith.index_cast %get3A_609 : i32 to index
      %get3A_611 = arith.constant 0 : index
      %get3A_612 = tpu.vector_load %arg16[%get3A_610, %get3A_611] {strides = array<i32>} : memref<40x16xf32, #tpu.memory_space<vmem>>, vector<1x16xf32>,
      %get3A_613 = vector.shape_cast %get3A_612 : vector<1x16xf32> to vector<16xf32>
      %swap3A_614 = arith.constant 2 : i32
      %swap3A_615 = arith.index_cast %swap3A_614 : i32 to index
      %swap3A_616 = arith.constant 0 : index
      %swap3A_617 = tpu.vector_load %arg15[%swap3A_615, %swap3A_616] {strides = array<i32>} : memref<40x128xf32, #tpu.memory_space<vmem>>, vector<1x16xf32>,
      %swap3A_618 = vector.shape_cast %swap3A_617 : vector<1x16xf32> to vector<16xf32>
      %swap3A_619 = vector.shape_cast %get3A_613 : vector<16xf32> to vector<1x16xf32>
      tpu.vector_store %arg15[%swap3A_615, %swap3A_616], %swap3A_619 {strides = array<i32>} : memref<40x128xf32, #tpu.memory_space<vmem>>, vector<1x16xf32>,
      %get3A_620 = arith.constant 3 : i32
      %get3A_621 = arith.index_cast %get3A_620 : i32 to index
      %get3A_622 = arith.constant 0 : index
      %get3A_623 = tpu.vector_load %arg16[%get3A_621, %get3A_622] {strides = array<i32>} : memref<40x16xf32, #tpu.memory_space<vmem>>, vector<1x16xf32>,
      %get3A_624 = vector.shape_cast %get3A_623 : vector<1x16xf32> to vector<16xf32>
      %swap3A_625 = arith.constant 3 : i32
      %swap3A_626 = arith.index_cast %swap3A_625 : i32 to index
      %swap3A_627 = arith.constant 0 : index
      %swap3A_628 = tpu.vector_load %arg15[%swap3A_626, %swap3A_627] {strides = array<i32>} : memref<40x128xf32, #tpu.memory_space<vmem>>, vector<1x16xf32>,
      %swap3A_629 = vector.shape_cast %swap3A_628 : vector<1x16xf32> to vector<16xf32>
      %swap3A_630 = vector.shape_cast %get3A_624 : vector<16xf32> to vector<1x16xf32>
      tpu.vector_store %arg15[%swap3A_626, %swap3A_627], %swap3A_630 {strides = array<i32>} : memref<40x128xf32, #tpu.memory_space<vmem>>, vector<1x16xf32>,
      %get3A_631 = arith.constant 4 : i32
      %get3A_632 = arith.index_cast %get3A_631 : i32 to index
      %get3A_633 = arith.constant 0 : index
      %get3A_634 = tpu.vector_load %arg16[%get3A_632, %get3A_633] {strides = array<i32>} : memref<40x16xf32, #tpu.memory_space<vmem>>, vector<1x16xf32>,
      %get3A_635 = vector.shape_cast %get3A_634 : vector<1x16xf32> to vector<16xf32>
      %swap3A_636 = arith.constant 4 : i32
      %swap3A_637 = arith.index_cast %swap3A_636 : i32 to index
      %swap3A_638 = arith.constant 0 : index
      %swap3A_639 = tpu.vector_load %arg15[%swap3A_637, %swap3A_638] {strides = array<i32>} : memref<40x128xf32, #tpu.memory_space<vmem>>, vector<1x16xf32>,
      %swap3A_640 = vector.shape_cast %swap3A_639 : vector<1x16xf32> to vector<16xf32>
      %swap3A_641 = vector.shape_cast %get3A_635 : vector<16xf32> to vector<1x16xf32>
      tpu.vector_store %arg15[%swap3A_637, %swap3A_638], %swap3A_641 {strides = array<i32>} : memref<40x128xf32, #tpu.memory_space<vmem>>, vector<1x16xf32>,
      %get3A_642 = arith.constant 5 : i32
      %get3A_643 = arith.index_cast %get3A_642 : i32 to index
      %get3A_644 = arith.constant 0 : index
      %get3A_645 = tpu.vector_load %arg16[%get3A_643, %get3A_644] {strides = array<i32>} : memref<40x16xf32, #tpu.memory_space<vmem>>, vector<1x16xf32>,
      %get3A_646 = vector.shape_cast %get3A_645 : vector<1x16xf32> to vector<16xf32>
      %swap3A_647 = arith.constant 5 : i32
      %swap3A_648 = arith.index_cast %swap3A_647 : i32 to index
      %swap3A_649 = arith.constant 0 : index
      %swap3A_650 = tpu.vector_load %arg15[%swap3A_648, %swap3A_649] {strides = array<i32>} : memref<40x128xf32, #tpu.memory_space<vmem>>, vector<1x16xf32>,
      %swap3A_651 = vector.shape_cast %swap3A_650 : vector<1x16xf32> to vector<16xf32>
      %swap3A_652 = vector.shape_cast %get3A_646 : vector<16xf32> to vector<1x16xf32>
      tpu.vector_store %arg15[%swap3A_648, %swap3A_649], %swap3A_652 {strides = array<i32>} : memref<40x128xf32, #tpu.memory_space<vmem>>, vector<1x16xf32>,
      %get3A_653 = arith.constant 6 : i32
      %get3A_654 = arith.index_cast %get3A_653 : i32 to index
      %get3A_655 = arith.constant 0 : index
      %get3A_656 = tpu.vector_load %arg16[%get3A_654, %get3A_655] {strides = array<i32>} : memref<40x16xf32, #tpu.memory_space<vmem>>, vector<1x16xf32>,
      %get3A_657 = vector.shape_cast %get3A_656 : vector<1x16xf32> to vector<16xf32>
      %swap3A_658 = arith.constant 6 : i32
      %swap3A_659 = arith.index_cast %swap3A_658 : i32 to index
      %swap3A_660 = arith.constant 0 : index
      %swap3A_661 = tpu.vector_load %arg15[%swap3A_659, %swap3A_660] {strides = array<i32>} : memref<40x128xf32, #tpu.memory_space<vmem>>, vector<1x16xf32>,
      %swap3A_662 = vector.shape_cast %swap3A_661 : vector<1x16xf32> to vector<16xf32>
      %swap3A_663 = vector.shape_cast %get3A_657 : vector<16xf32> to vector<1x16xf32>
      tpu.vector_store %arg15[%swap3A_659, %swap3A_660], %swap3A_663 {strides = array<i32>} : memref<40x128xf32, #tpu.memory_space<vmem>>, vector<1x16xf32>,
      %get3A_664 = arith.constant 7 : i32
      %get3A_665 = arith.index_cast %get3A_664 : i32 to index
      %get3A_666 = arith.constant 0 : index
      %get3A_667 = tpu.vector_load %arg16[%get3A_665, %get3A_666] {strides = array<i32>} : memref<40x16xf32, #tpu.memory_space<vmem>>, vector<1x16xf32>,
      %get3A_668 = vector.shape_cast %get3A_667 : vector<1x16xf32> to vector<16xf32>
      %swap3A_669 = arith.constant 7 : i32
      %swap3A_670 = arith.index_cast %swap3A_669 : i32 to index
      %swap3A_671 = arith.constant 0 : index
      %swap3A_672 = tpu.vector_load %arg15[%swap3A_670, %swap3A_671] {strides = array<i32>} : memref<40x128xf32, #tpu.memory_space<vmem>>, vector<1x16xf32>,
      %swap3A_673 = vector.shape_cast %swap3A_672 : vector<1x16xf32> to vector<16xf32>
      %swap3A_674 = vector.shape_cast %get3A_668 : vector<16xf32> to vector<1x16xf32>
      tpu.vector_store %arg15[%swap3A_670, %swap3A_671], %swap3A_674 {strides = array<i32>} : memref<40x128xf32, #tpu.memory_space<vmem>>, vector<1x16xf32>,
      %get3A_675 = arith.constant 8 : i32
      %get3A_676 = arith.index_cast %get3A_675 : i32 to index
      %get3A_677 = arith.constant 0 : index
      %get3A_678 = tpu.vector_load %arg16[%get3A_676, %get3A_677] {strides = array<i32>} : memref<40x16xf32, #tpu.memory_space<vmem>>, vector<1x16xf32>,
      %get3A_679 = vector.shape_cast %get3A_678 : vector<1x16xf32> to vector<16xf32>
      %swap3A_680 = arith.constant 8 : i32
      %swap3A_681 = arith.index_cast %swap3A_680 : i32 to index
      %swap3A_682 = arith.constant 0 : index
      %swap3A_683 = tpu.vector_load %arg15[%swap3A_681, %swap3A_682] {strides = array<i32>} : memref<40x128xf32, #tpu.memory_space<vmem>>, vector<1x16xf32>,
      %swap3A_684 = vector.shape_cast %swap3A_683 : vector<1x16xf32> to vector<16xf32>
      %swap3A_685 = vector.shape_cast %get3A_679 : vector<16xf32> to vector<1x16xf32>
      tpu.vector_store %arg15[%swap3A_681, %swap3A_682], %swap3A_685 {strides = array<i32>} : memref<40x128xf32, #tpu.memory_space<vmem>>, vector<1x16xf32>,
      %get3A_686 = arith.constant 9 : i32
      %get3A_687 = arith.index_cast %get3A_686 : i32 to index
      %get3A_688 = arith.constant 0 : index
      %get3A_689 = tpu.vector_load %arg16[%get3A_687, %get3A_688] {strides = array<i32>} : memref<40x16xf32, #tpu.memory_space<vmem>>, vector<1x16xf32>,
      %get3A_690 = vector.shape_cast %get3A_689 : vector<1x16xf32> to vector<16xf32>
      %swap3A_691 = arith.constant 9 : i32
      %swap3A_692 = arith.index_cast %swap3A_691 : i32 to index
      %swap3A_693 = arith.constant 0 : index
      %swap3A_694 = tpu.vector_load %arg15[%swap3A_692, %swap3A_693] {strides = array<i32>} : memref<40x128xf32, #tpu.memory_space<vmem>>, vector<1x16xf32>,
      %swap3A_695 = vector.shape_cast %swap3A_694 : vector<1x16xf32> to vector<16xf32>
      %swap3A_696 = vector.shape_cast %get3A_690 : vector<16xf32> to vector<1x16xf32>
      tpu.vector_store %arg15[%swap3A_692, %swap3A_693], %swap3A_696 {strides = array<i32>} : memref<40x128xf32, #tpu.memory_space<vmem>>, vector<1x16xf32>,
      %get3A_697 = arith.constant 10 : i32
      %get3A_698 = arith.index_cast %get3A_697 : i32 to index
      %get3A_699 = arith.constant 0 : index
      %get3A_700 = tpu.vector_load %arg16[%get3A_698, %get3A_699] {strides = array<i32>} : memref<40x16xf32, #tpu.memory_space<vmem>>, vector<1x16xf32>,
      %get3A_701 = vector.shape_cast %get3A_700 : vector<1x16xf32> to vector<16xf32>
      %swap3A_702 = arith.constant 10 : i32
      %swap3A_703 = arith.index_cast %swap3A_702 : i32 to index
      %swap3A_704 = arith.constant 0 : index
      %swap3A_705 = tpu.vector_load %arg15[%swap3A_703, %swap3A_704] {strides = array<i32>} : memref<40x128xf32, #tpu.memory_space<vmem>>, vector<1x16xf32>,
      %swap3A_706 = vector.shape_cast %swap3A_705 : vector<1x16xf32> to vector<16xf32>
      %swap3A_707 = vector.shape_cast %get3A_701 : vector<16xf32> to vector<1x16xf32>
      tpu.vector_store %arg15[%swap3A_703, %swap3A_704], %swap3A_707 {strides = array<i32>} : memref<40x128xf32, #tpu.memory_space<vmem>>, vector<1x16xf32>,
      %get3A_708 = arith.constant 11 : i32
      %get3A_709 = arith.index_cast %get3A_708 : i32 to index
      %get3A_710 = arith.constant 0 : index
      %get3A_711 = tpu.vector_load %arg16[%get3A_709, %get3A_710] {strides = array<i32>} : memref<40x16xf32, #tpu.memory_space<vmem>>, vector<1x16xf32>,
      %get3A_712 = vector.shape_cast %get3A_711 : vector<1x16xf32> to vector<16xf32>
      %swap3A_713 = arith.constant 11 : i32
      %swap3A_714 = arith.index_cast %swap3A_713 : i32 to index
      %swap3A_715 = arith.constant 0 : index
      %swap3A_716 = tpu.vector_load %arg15[%swap3A_714, %swap3A_715] {strides = array<i32>} : memref<40x128xf32, #tpu.memory_space<vmem>>, vector<1x16xf32>,
      %swap3A_717 = vector.shape_cast %swap3A_716 : vector<1x16xf32> to vector<16xf32>
      %swap3A_718 = vector.shape_cast %get3A_712 : vector<16xf32> to vector<1x16xf32>
      tpu.vector_store %arg15[%swap3A_714, %swap3A_715], %swap3A_718 {strides = array<i32>} : memref<40x128xf32, #tpu.memory_space<vmem>>, vector<1x16xf32>,
      %get3A_719 = arith.constant 12 : i32
      %get3A_720 = arith.index_cast %get3A_719 : i32 to index
      %get3A_721 = arith.constant 0 : index
      %get3A_722 = tpu.vector_load %arg16[%get3A_720, %get3A_721] {strides = array<i32>} : memref<40x16xf32, #tpu.memory_space<vmem>>, vector<1x16xf32>,
      %get3A_723 = vector.shape_cast %get3A_722 : vector<1x16xf32> to vector<16xf32>
      %swap3A_724 = arith.constant 12 : i32
      %swap3A_725 = arith.index_cast %swap3A_724 : i32 to index
      %swap3A_726 = arith.constant 0 : index
      %swap3A_727 = tpu.vector_load %arg15[%swap3A_725, %swap3A_726] {strides = array<i32>} : memref<40x128xf32, #tpu.memory_space<vmem>>, vector<1x16xf32>,
      %swap3A_728 = vector.shape_cast %swap3A_727 : vector<1x16xf32> to vector<16xf32>
      %swap3A_729 = vector.shape_cast %get3A_723 : vector<16xf32> to vector<1x16xf32>
      tpu.vector_store %arg15[%swap3A_725, %swap3A_726], %swap3A_729 {strides = array<i32>} : memref<40x128xf32, #tpu.memory_space<vmem>>, vector<1x16xf32>,
      %get3A_730 = arith.constant 13 : i32
      %get3A_731 = arith.index_cast %get3A_730 : i32 to index
      %get3A_732 = arith.constant 0 : index
      %get3A_733 = tpu.vector_load %arg16[%get3A_731, %get3A_732] {strides = array<i32>} : memref<40x16xf32, #tpu.memory_space<vmem>>, vector<1x16xf32>,
      %get3A_734 = vector.shape_cast %get3A_733 : vector<1x16xf32> to vector<16xf32>
      %swap3A_735 = arith.constant 13 : i32
      %swap3A_736 = arith.index_cast %swap3A_735 : i32 to index
      %swap3A_737 = arith.constant 0 : index
      %swap3A_738 = tpu.vector_load %arg15[%swap3A_736, %swap3A_737] {strides = array<i32>} : memref<40x128xf32, #tpu.memory_space<vmem>>, vector<1x16xf32>,
      %swap3A_739 = vector.shape_cast %swap3A_738 : vector<1x16xf32> to vector<16xf32>
      %swap3A_740 = vector.shape_cast %get3A_734 : vector<16xf32> to vector<1x16xf32>
      tpu.vector_store %arg15[%swap3A_736, %swap3A_737], %swap3A_740 {strides = array<i32>} : memref<40x128xf32, #tpu.memory_space<vmem>>, vector<1x16xf32>,
      %get3A_741 = arith.constant 14 : i32
      %get3A_742 = arith.index_cast %get3A_741 : i32 to index
      %get3A_743 = arith.constant 0 : index
      %get3A_744 = tpu.vector_load %arg16[%get3A_742, %get3A_743] {strides = array<i32>} : memref<40x16xf32, #tpu.memory_space<vmem>>, vector<1x16xf32>,
      %get3A_745 = vector.shape_cast %get3A_744 : vector<1x16xf32> to vector<16xf32>
      %swap3A_746 = arith.constant 14 : i32
      %swap3A_747 = arith.index_cast %swap3A_746 : i32 to index
      %swap3A_748 = arith.constant 0 : index
      %swap3A_749 = tpu.vector_load %arg15[%swap3A_747, %swap3A_748] {strides = array<i32>} : memref<40x128xf32, #tpu.memory_space<vmem>>, vector<1x16xf32>,
      %swap3A_750 = vector.shape_cast %swap3A_749 : vector<1x16xf32> to vector<16xf32>
      %swap3A_751 = vector.shape_cast %get3A_745 : vector<16xf32> to vector<1x16xf32>
      tpu.vector_store %arg15[%swap3A_747, %swap3A_748], %swap3A_751 {strides = array<i32>} : memref<40x128xf32, #tpu.memory_space<vmem>>, vector<1x16xf32>,
      %get3A_752 = arith.constant 15 : i32
      %get3A_753 = arith.index_cast %get3A_752 : i32 to index
      %get3A_754 = arith.constant 0 : index
      %get3A_755 = tpu.vector_load %arg16[%get3A_753, %get3A_754] {strides = array<i32>} : memref<40x16xf32, #tpu.memory_space<vmem>>, vector<1x16xf32>,
      %get3A_756 = vector.shape_cast %get3A_755 : vector<1x16xf32> to vector<16xf32>
      %swap3A_757 = arith.constant 15 : i32
      %swap3A_758 = arith.index_cast %swap3A_757 : i32 to index
      %swap3A_759 = arith.constant 0 : index
      %swap3A_760 = tpu.vector_load %arg15[%swap3A_758, %swap3A_759] {strides = array<i32>} : memref<40x128xf32, #tpu.memory_space<vmem>>, vector<1x16xf32>,
      %swap3A_761 = vector.shape_cast %swap3A_760 : vector<1x16xf32> to vector<16xf32>
      %swap3A_762 = vector.shape_cast %get3A_756 : vector<16xf32> to vector<1x16xf32>
      tpu.vector_store %arg15[%swap3A_758, %swap3A_759], %swap3A_762 {strides = array<i32>} : memref<40x128xf32, #tpu.memory_space<vmem>>, vector<1x16xf32>,
      %get3A_763 = arith.constant 16 : i32
      %get3A_764 = arith.index_cast %get3A_763 : i32 to index
      %get3A_765 = arith.constant 0 : index
      %get3A_766 = tpu.vector_load %arg16[%get3A_764, %get3A_765] {strides = array<i32>} : memref<40x16xf32, #tpu.memory_space<vmem>>, vector<1x16xf32>,
      %get3A_767 = vector.shape_cast %get3A_766 : vector<1x16xf32> to vector<16xf32>
      %swap3A_768 = arith.constant 16 : i32
      %swap3A_769 = arith.index_cast %swap3A_768 : i32 to index
      %swap3A_770 = arith.constant 0 : index
      %swap3A_771 = tpu.vector_load %arg15[%swap3A_769, %swap3A_770] {strides = array<i32>} : memref<40x128xf32, #tpu.memory_space<vmem>>, vector<1x16xf32>,
      %swap3A_772 = vector.shape_cast %swap3A_771 : vector<1x16xf32> to vector<16xf32>
      %swap3A_773 = vector.shape_cast %get3A_767 : vector<16xf32> to vector<1x16xf32>
      tpu.vector_store %arg15[%swap3A_769, %swap3A_770], %swap3A_773 {strides = array<i32>} : memref<40x128xf32, #tpu.memory_space<vmem>>, vector<1x16xf32>,
      %get3A_774 = arith.constant 17 : i32
      %get3A_775 = arith.index_cast %get3A_774 : i32 to index
      %get3A_776 = arith.constant 0 : index
      %get3A_777 = tpu.vector_load %arg16[%get3A_775, %get3A_776] {strides = array<i32>} : memref<40x16xf32, #tpu.memory_space<vmem>>, vector<1x16xf32>,
      %get3A_778 = vector.shape_cast %get3A_777 : vector<1x16xf32> to vector<16xf32>
      %swap3A_779 = arith.constant 17 : i32
      %swap3A_780 = arith.index_cast %swap3A_779 : i32 to index
      %swap3A_781 = arith.constant 0 : index
      %swap3A_782 = tpu.vector_load %arg15[%swap3A_780, %swap3A_781] {strides = array<i32>} : memref<40x128xf32, #tpu.memory_space<vmem>>, vector<1x16xf32>,
      %swap3A_783 = vector.shape_cast %swap3A_782 : vector<1x16xf32> to vector<16xf32>
      %swap3A_784 = vector.shape_cast %get3A_778 : vector<16xf32> to vector<1x16xf32>
      tpu.vector_store %arg15[%swap3A_780, %swap3A_781], %swap3A_784 {strides = array<i32>} : memref<40x128xf32, #tpu.memory_space<vmem>>, vector<1x16xf32>,
      %get3A_785 = arith.constant 18 : i32
      %get3A_786 = arith.index_cast %get3A_785 : i32 to index
      %get3A_787 = arith.constant 0 : index
      %get3A_788 = tpu.vector_load %arg16[%get3A_786, %get3A_787] {strides = array<i32>} : memref<40x16xf32, #tpu.memory_space<vmem>>, vector<1x16xf32>,
      %get3A_789 = vector.shape_cast %get3A_788 : vector<1x16xf32> to vector<16xf32>
      %swap3A_790 = arith.constant 18 : i32
      %swap3A_791 = arith.index_cast %swap3A_790 : i32 to index
      %swap3A_792 = arith.constant 0 : index
      %swap3A_793 = tpu.vector_load %arg15[%swap3A_791, %swap3A_792] {strides = array<i32>} : memref<40x128xf32, #tpu.memory_space<vmem>>, vector<1x16xf32>,
      %swap3A_794 = vector.shape_cast %swap3A_793 : vector<1x16xf32> to vector<16xf32>
      %swap3A_795 = vector.shape_cast %get3A_789 : vector<16xf32> to vector<1x16xf32>
      tpu.vector_store %arg15[%swap3A_791, %swap3A_792], %swap3A_795 {strides = array<i32>} : memref<40x128xf32, #tpu.memory_space<vmem>>, vector<1x16xf32>,
      %get3A_796 = arith.constant 19 : i32
      %get3A_797 = arith.index_cast %get3A_796 : i32 to index
      %get3A_798 = arith.constant 0 : index
      %get3A_799 = tpu.vector_load %arg16[%get3A_797, %get3A_798] {strides = array<i32>} : memref<40x16xf32, #tpu.memory_space<vmem>>, vector<1x16xf32>,
      %get3A_800 = vector.shape_cast %get3A_799 : vector<1x16xf32> to vector<16xf32>
      %swap3A_801 = arith.constant 19 : i32
      %swap3A_802 = arith.index_cast %swap3A_801 : i32 to index
      %swap3A_803 = arith.constant 0 : index
      %swap3A_804 = tpu.vector_load %arg15[%swap3A_802, %swap3A_803] {strides = array<i32>} : memref<40x128xf32, #tpu.memory_space<vmem>>, vector<1x16xf32>,
      %swap3A_805 = vector.shape_cast %swap3A_804 : vector<1x16xf32> to vector<16xf32>
      %swap3A_806 = vector.shape_cast %get3A_800 : vector<16xf32> to vector<1x16xf32>
      tpu.vector_store %arg15[%swap3A_802, %swap3A_803], %swap3A_806 {strides = array<i32>} : memref<40x128xf32, #tpu.memory_space<vmem>>, vector<1x16xf32>,
      %get3A_807 = arith.constant 20 : i32
      %get3A_808 = arith.index_cast %get3A_807 : i32 to index
      %get3A_809 = arith.constant 0 : index
      %get3A_810 = tpu.vector_load %arg16[%get3A_808, %get3A_809] {strides = array<i32>} : memref<40x16xf32, #tpu.memory_space<vmem>>, vector<1x16xf32>,
      %get3A_811 = vector.shape_cast %get3A_810 : vector<1x16xf32> to vector<16xf32>
      %swap3A_812 = arith.constant 20 : i32
      %swap3A_813 = arith.index_cast %swap3A_812 : i32 to index
      %swap3A_814 = arith.constant 0 : index
      %swap3A_815 = tpu.vector_load %arg15[%swap3A_813, %swap3A_814] {strides = array<i32>} : memref<40x128xf32, #tpu.memory_space<vmem>>, vector<1x16xf32>,
      %swap3A_816 = vector.shape_cast %swap3A_815 : vector<1x16xf32> to vector<16xf32>
      %swap3A_817 = vector.shape_cast %get3A_811 : vector<16xf32> to vector<1x16xf32>
      tpu.vector_store %arg15[%swap3A_813, %swap3A_814], %swap3A_817 {strides = array<i32>} : memref<40x128xf32, #tpu.memory_space<vmem>>, vector<1x16xf32>,
      %get3A_818 = arith.constant 21 : i32
      %get3A_819 = arith.index_cast %get3A_818 : i32 to index
      %get3A_820 = arith.constant 0 : index
      %get3A_821 = tpu.vector_load %arg16[%get3A_819, %get3A_820] {strides = array<i32>} : memref<40x16xf32, #tpu.memory_space<vmem>>, vector<1x16xf32>,
      %get3A_822 = vector.shape_cast %get3A_821 : vector<1x16xf32> to vector<16xf32>
      %swap3A_823 = arith.constant 21 : i32
      %swap3A_824 = arith.index_cast %swap3A_823 : i32 to index
      %swap3A_825 = arith.constant 0 : index
      %swap3A_826 = tpu.vector_load %arg15[%swap3A_824, %swap3A_825] {strides = array<i32>} : memref<40x128xf32, #tpu.memory_space<vmem>>, vector<1x16xf32>,
      %swap3A_827 = vector.shape_cast %swap3A_826 : vector<1x16xf32> to vector<16xf32>
      %swap3A_828 = vector.shape_cast %get3A_822 : vector<16xf32> to vector<1x16xf32>
      tpu.vector_store %arg15[%swap3A_824, %swap3A_825], %swap3A_828 {strides = array<i32>} : memref<40x128xf32, #tpu.memory_space<vmem>>, vector<1x16xf32>,
      %get3A_829 = arith.constant 22 : i32
      %get3A_830 = arith.index_cast %get3A_829 : i32 to index
      %get3A_831 = arith.constant 0 : index
      %get3A_832 = tpu.vector_load %arg16[%get3A_830, %get3A_831] {strides = array<i32>} : memref<40x16xf32, #tpu.memory_space<vmem>>, vector<1x16xf32>,
      %get3A_833 = vector.shape_cast %get3A_832 : vector<1x16xf32> to vector<16xf32>
      %swap3A_834 = arith.constant 22 : i32
      %swap3A_835 = arith.index_cast %swap3A_834 : i32 to index
      %swap3A_836 = arith.constant 0 : index
      %swap3A_837 = tpu.vector_load %arg15[%swap3A_835, %swap3A_836] {strides = array<i32>} : memref<40x128xf32, #tpu.memory_space<vmem>>, vector<1x16xf32>,
      %swap3A_838 = vector.shape_cast %swap3A_837 : vector<1x16xf32> to vector<16xf32>
      %swap3A_839 = vector.shape_cast %get3A_833 : vector<16xf32> to vector<1x16xf32>
      tpu.vector_store %arg15[%swap3A_835, %swap3A_836], %swap3A_839 {strides = array<i32>} : memref<40x128xf32, #tpu.memory_space<vmem>>, vector<1x16xf32>,
      %get3A_840 = arith.constant 23 : i32
      %get3A_841 = arith.index_cast %get3A_840 : i32 to index
      %get3A_842 = arith.constant 0 : index
      %get3A_843 = tpu.vector_load %arg16[%get3A_841, %get3A_842] {strides = array<i32>} : memref<40x16xf32, #tpu.memory_space<vmem>>, vector<1x16xf32>,
      %get3A_844 = vector.shape_cast %get3A_843 : vector<1x16xf32> to vector<16xf32>
      %swap3A_845 = arith.constant 23 : i32
      %swap3A_846 = arith.index_cast %swap3A_845 : i32 to index
      %swap3A_847 = arith.constant 0 : index
      %swap3A_848 = tpu.vector_load %arg15[%swap3A_846, %swap3A_847] {strides = array<i32>} : memref<40x128xf32, #tpu.memory_space<vmem>>, vector<1x16xf32>,
      %swap3A_849 = vector.shape_cast %swap3A_848 : vector<1x16xf32> to vector<16xf32>
      %swap3A_850 = vector.shape_cast %get3A_844 : vector<16xf32> to vector<1x16xf32>
      tpu.vector_store %arg15[%swap3A_846, %swap3A_847], %swap3A_850 {strides = array<i32>} : memref<40x128xf32, #tpu.memory_space<vmem>>, vector<1x16xf32>,
      %get3A_851 = arith.constant 24 : i32
      %get3A_852 = arith.index_cast %get3A_851 : i32 to index
      %get3A_853 = arith.constant 0 : index
      %get3A_854 = tpu.vector_load %arg16[%get3A_852, %get3A_853] {strides = array<i32>} : memref<40x16xf32, #tpu.memory_space<vmem>>, vector<1x16xf32>,
      %get3A_855 = vector.shape_cast %get3A_854 : vector<1x16xf32> to vector<16xf32>
      %swap3A_856 = arith.constant 24 : i32
      %swap3A_857 = arith.index_cast %swap3A_856 : i32 to index
      %swap3A_858 = arith.constant 0 : index
      %swap3A_859 = tpu.vector_load %arg15[%swap3A_857, %swap3A_858] {strides = array<i32>} : memref<40x128xf32, #tpu.memory_space<vmem>>, vector<1x16xf32>,
      %swap3A_860 = vector.shape_cast %swap3A_859 : vector<1x16xf32> to vector<16xf32>
      %swap3A_861 = vector.shape_cast %get3A_855 : vector<16xf32> to vector<1x16xf32>
      tpu.vector_store %arg15[%swap3A_857, %swap3A_858], %swap3A_861 {strides = array<i32>} : memref<40x128xf32, #tpu.memory_space<vmem>>, vector<1x16xf32>,
      %get3A_862 = arith.constant 25 : i32
      %get3A_863 = arith.index_cast %get3A_862 : i32 to index
      %get3A_864 = arith.constant 0 : index
      %get3A_865 = tpu.vector_load %arg16[%get3A_863, %get3A_864] {strides = array<i32>} : memref<40x16xf32, #tpu.memory_space<vmem>>, vector<1x16xf32>,
      %get3A_866 = vector.shape_cast %get3A_865 : vector<1x16xf32> to vector<16xf32>
      %swap3A_867 = arith.constant 25 : i32
      %swap3A_868 = arith.index_cast %swap3A_867 : i32 to index
      %swap3A_869 = arith.constant 0 : index
      %swap3A_870 = tpu.vector_load %arg15[%swap3A_868, %swap3A_869] {strides = array<i32>} : memref<40x128xf32, #tpu.memory_space<vmem>>, vector<1x16xf32>,
      %swap3A_871 = vector.shape_cast %swap3A_870 : vector<1x16xf32> to vector<16xf32>
      %swap3A_872 = vector.shape_cast %get3A_866 : vector<16xf32> to vector<1x16xf32>
      tpu.vector_store %arg15[%swap3A_868, %swap3A_869], %swap3A_872 {strides = array<i32>} : memref<40x128xf32, #tpu.memory_space<vmem>>, vector<1x16xf32>,
      %get3A_873 = arith.constant 26 : i32
      %get3A_874 = arith.index_cast %get3A_873 : i32 to index
      %get3A_875 = arith.constant 0 : index
      %get3A_876 = tpu.vector_load %arg16[%get3A_874, %get3A_875] {strides = array<i32>} : memref<40x16xf32, #tpu.memory_space<vmem>>, vector<1x16xf32>,
      %get3A_877 = vector.shape_cast %get3A_876 : vector<1x16xf32> to vector<16xf32>
      %swap3A_878 = arith.constant 26 : i32
      %swap3A_879 = arith.index_cast %swap3A_878 : i32 to index
      %swap3A_880 = arith.constant 0 : index
      %swap3A_881 = tpu.vector_load %arg15[%swap3A_879, %swap3A_880] {strides = array<i32>} : memref<40x128xf32, #tpu.memory_space<vmem>>, vector<1x16xf32>,
      %swap3A_882 = vector.shape_cast %swap3A_881 : vector<1x16xf32> to vector<16xf32>
      %swap3A_883 = vector.shape_cast %get3A_877 : vector<16xf32> to vector<1x16xf32>
      tpu.vector_store %arg15[%swap3A_879, %swap3A_880], %swap3A_883 {strides = array<i32>} : memref<40x128xf32, #tpu.memory_space<vmem>>, vector<1x16xf32>,
      %get3A_884 = arith.constant 27 : i32
      %get3A_885 = arith.index_cast %get3A_884 : i32 to index
      %get3A_886 = arith.constant 0 : index
      %get3A_887 = tpu.vector_load %arg16[%get3A_885, %get3A_886] {strides = array<i32>} : memref<40x16xf32, #tpu.memory_space<vmem>>, vector<1x16xf32>,
      %get3A_888 = vector.shape_cast %get3A_887 : vector<1x16xf32> to vector<16xf32>
      %swap3A_889 = arith.constant 27 : i32
      %swap3A_890 = arith.index_cast %swap3A_889 : i32 to index
      %swap3A_891 = arith.constant 0 : index
      %swap3A_892 = tpu.vector_load %arg15[%swap3A_890, %swap3A_891] {strides = array<i32>} : memref<40x128xf32, #tpu.memory_space<vmem>>, vector<1x16xf32>,
      %swap3A_893 = vector.shape_cast %swap3A_892 : vector<1x16xf32> to vector<16xf32>
      %swap3A_894 = vector.shape_cast %get3A_888 : vector<16xf32> to vector<1x16xf32>
      tpu.vector_store %arg15[%swap3A_890, %swap3A_891], %swap3A_894 {strides = array<i32>} : memref<40x128xf32, #tpu.memory_space<vmem>>, vector<1x16xf32>,
      %get3A_895 = arith.constant 28 : i32
      %get3A_896 = arith.index_cast %get3A_895 : i32 to index
      %get3A_897 = arith.constant 0 : index
      %get3A_898 = tpu.vector_load %arg16[%get3A_896, %get3A_897] {strides = array<i32>} : memref<40x16xf32, #tpu.memory_space<vmem>>, vector<1x16xf32>,
      %get3A_899 = vector.shape_cast %get3A_898 : vector<1x16xf32> to vector<16xf32>
      %swap3A_900 = arith.constant 28 : i32
      %swap3A_901 = arith.index_cast %swap3A_900 : i32 to index
      %swap3A_902 = arith.constant 0 : index
      %swap3A_903 = tpu.vector_load %arg15[%swap3A_901, %swap3A_902] {strides = array<i32>} : memref<40x128xf32, #tpu.memory_space<vmem>>, vector<1x16xf32>,
      %swap3A_904 = vector.shape_cast %swap3A_903 : vector<1x16xf32> to vector<16xf32>
      %swap3A_905 = vector.shape_cast %get3A_899 : vector<16xf32> to vector<1x16xf32>
      tpu.vector_store %arg15[%swap3A_901, %swap3A_902], %swap3A_905 {strides = array<i32>} : memref<40x128xf32, #tpu.memory_space<vmem>>, vector<1x16xf32>,
      %get3A_906 = arith.constant 29 : i32
      %get3A_907 = arith.index_cast %get3A_906 : i32 to index
      %get3A_908 = arith.constant 0 : index
      %get3A_909 = tpu.vector_load %arg16[%get3A_907, %get3A_908] {strides = array<i32>} : memref<40x16xf32, #tpu.memory_space<vmem>>, vector<1x16xf32>,
      %get3A_910 = vector.shape_cast %get3A_909 : vector<1x16xf32> to vector<16xf32>
      %swap3A_911 = arith.constant 29 : i32
      %swap3A_912 = arith.index_cast %swap3A_911 : i32 to index
      %swap3A_913 = arith.constant 0 : index
      %swap3A_914 = tpu.vector_load %arg15[%swap3A_912, %swap3A_913] {strides = array<i32>} : memref<40x128xf32, #tpu.memory_space<vmem>>, vector<1x16xf32>,
      %swap3A_915 = vector.shape_cast %swap3A_914 : vector<1x16xf32> to vector<16xf32>
      %swap3A_916 = vector.shape_cast %get3A_910 : vector<16xf32> to vector<1x16xf32>
      tpu.vector_store %arg15[%swap3A_912, %swap3A_913], %swap3A_916 {strides = array<i32>} : memref<40x128xf32, #tpu.memory_space<vmem>>, vector<1x16xf32>,
      %get3A_917 = arith.constant 30 : i32
      %get3A_918 = arith.index_cast %get3A_917 : i32 to index
      %get3A_919 = arith.constant 0 : index
      %get3A_920 = tpu.vector_load %arg16[%get3A_918, %get3A_919] {strides = array<i32>} : memref<40x16xf32, #tpu.memory_space<vmem>>, vector<1x16xf32>,
      %get3A_921 = vector.shape_cast %get3A_920 : vector<1x16xf32> to vector<16xf32>
      %swap3A_922 = arith.constant 30 : i32
      %swap3A_923 = arith.index_cast %swap3A_922 : i32 to index
      %swap3A_924 = arith.constant 0 : index
      %swap3A_925 = tpu.vector_load %arg15[%swap3A_923, %swap3A_924] {strides = array<i32>} : memref<40x128xf32, #tpu.memory_space<vmem>>, vector<1x16xf32>,
      %swap3A_926 = vector.shape_cast %swap3A_925 : vector<1x16xf32> to vector<16xf32>
      %swap3A_927 = vector.shape_cast %get3A_921 : vector<16xf32> to vector<1x16xf32>
      tpu.vector_store %arg15[%swap3A_923, %swap3A_924], %swap3A_927 {strides = array<i32>} : memref<40x128xf32, #tpu.memory_space<vmem>>, vector<1x16xf32>,
      %get3A_928 = arith.constant 31 : i32
      %get3A_929 = arith.index_cast %get3A_928 : i32 to index
      %get3A_930 = arith.constant 0 : index
      %get3A_931 = tpu.vector_load %arg16[%get3A_929, %get3A_930] {strides = array<i32>} : memref<40x16xf32, #tpu.memory_space<vmem>>, vector<1x16xf32>,
      %get3A_932 = vector.shape_cast %get3A_931 : vector<1x16xf32> to vector<16xf32>
      %swap3A_933 = arith.constant 31 : i32
      %swap3A_934 = arith.index_cast %swap3A_933 : i32 to index
      %swap3A_935 = arith.constant 0 : index
      %swap3A_936 = tpu.vector_load %arg15[%swap3A_934, %swap3A_935] {strides = array<i32>} : memref<40x128xf32, #tpu.memory_space<vmem>>, vector<1x16xf32>,
      %swap3A_937 = vector.shape_cast %swap3A_936 : vector<1x16xf32> to vector<16xf32>
      %swap3A_938 = vector.shape_cast %get3A_932 : vector<16xf32> to vector<1x16xf32>
      tpu.vector_store %arg15[%swap3A_934, %swap3A_935], %swap3A_938 {strides = array<i32>} : memref<40x128xf32, #tpu.memory_space<vmem>>, vector<1x16xf32>,
      %get3A_939 = arith.constant 32 : i32
      %get3A_940 = arith.index_cast %get3A_939 : i32 to index
      %get3A_941 = arith.constant 0 : index
      %get3A_942 = tpu.vector_load %arg16[%get3A_940, %get3A_941] {strides = array<i32>} : memref<40x16xf32, #tpu.memory_space<vmem>>, vector<1x16xf32>,
      %get3A_943 = vector.shape_cast %get3A_942 : vector<1x16xf32> to vector<16xf32>
      %swap3A_944 = arith.constant 32 : i32
      %swap3A_945 = arith.index_cast %swap3A_944 : i32 to index
      %swap3A_946 = arith.constant 0 : index
      %swap3A_947 = tpu.vector_load %arg15[%swap3A_945, %swap3A_946] {strides = array<i32>} : memref<40x128xf32, #tpu.memory_space<vmem>>, vector<1x16xf32>,
      %swap3A_948 = vector.shape_cast %swap3A_947 : vector<1x16xf32> to vector<16xf32>
      %swap3A_949 = vector.shape_cast %get3A_943 : vector<16xf32> to vector<1x16xf32>
      tpu.vector_store %arg15[%swap3A_945, %swap3A_946], %swap3A_949 {strides = array<i32>} : memref<40x128xf32, #tpu.memory_space<vmem>>, vector<1x16xf32>,
      %get3A_950 = arith.constant 33 : i32
      %get3A_951 = arith.index_cast %get3A_950 : i32 to index
      %get3A_952 = arith.constant 0 : index
      %get3A_953 = tpu.vector_load %arg16[%get3A_951, %get3A_952] {strides = array<i32>} : memref<40x16xf32, #tpu.memory_space<vmem>>, vector<1x16xf32>,
      %get3A_954 = vector.shape_cast %get3A_953 : vector<1x16xf32> to vector<16xf32>
      %swap3A_955 = arith.constant 33 : i32
      %swap3A_956 = arith.index_cast %swap3A_955 : i32 to index
      %swap3A_957 = arith.constant 0 : index
      %swap3A_958 = tpu.vector_load %arg15[%swap3A_956, %swap3A_957] {strides = array<i32>} : memref<40x128xf32, #tpu.memory_space<vmem>>, vector<1x16xf32>,
      %swap3A_959 = vector.shape_cast %swap3A_958 : vector<1x16xf32> to vector<16xf32>
      %swap3A_960 = vector.shape_cast %get3A_954 : vector<16xf32> to vector<1x16xf32>
      tpu.vector_store %arg15[%swap3A_956, %swap3A_957], %swap3A_960 {strides = array<i32>} : memref<40x128xf32, #tpu.memory_space<vmem>>, vector<1x16xf32>,
      %get3A_961 = arith.constant 34 : i32
      %get3A_962 = arith.index_cast %get3A_961 : i32 to index
      %get3A_963 = arith.constant 0 : index
      %get3A_964 = tpu.vector_load %arg16[%get3A_962, %get3A_963] {strides = array<i32>} : memref<40x16xf32, #tpu.memory_space<vmem>>, vector<1x16xf32>,
      %get3A_965 = vector.shape_cast %get3A_964 : vector<1x16xf32> to vector<16xf32>
      %swap3A_966 = arith.constant 34 : i32
      %swap3A_967 = arith.index_cast %swap3A_966 : i32 to index
      %swap3A_968 = arith.constant 0 : index
      %swap3A_969 = tpu.vector_load %arg15[%swap3A_967, %swap3A_968] {strides = array<i32>} : memref<40x128xf32, #tpu.memory_space<vmem>>, vector<1x16xf32>,
      %swap3A_970 = vector.shape_cast %swap3A_969 : vector<1x16xf32> to vector<16xf32>
      %swap3A_971 = vector.shape_cast %get3A_965 : vector<16xf32> to vector<1x16xf32>
      tpu.vector_store %arg15[%swap3A_967, %swap3A_968], %swap3A_971 {strides = array<i32>} : memref<40x128xf32, #tpu.memory_space<vmem>>, vector<1x16xf32>,
      %get3A_972 = arith.constant 35 : i32
      %get3A_973 = arith.index_cast %get3A_972 : i32 to index
      %get3A_974 = arith.constant 0 : index
      %get3A_975 = tpu.vector_load %arg16[%get3A_973, %get3A_974] {strides = array<i32>} : memref<40x16xf32, #tpu.memory_space<vmem>>, vector<1x16xf32>,
      %get3A_976 = vector.shape_cast %get3A_975 : vector<1x16xf32> to vector<16xf32>
      %swap3A_977 = arith.constant 35 : i32
      %swap3A_978 = arith.index_cast %swap3A_977 : i32 to index
      %swap3A_979 = arith.constant 0 : index
      %swap3A_980 = tpu.vector_load %arg15[%swap3A_978, %swap3A_979] {strides = array<i32>} : memref<40x128xf32, #tpu.memory_space<vmem>>, vector<1x16xf32>,
      %swap3A_981 = vector.shape_cast %swap3A_980 : vector<1x16xf32> to vector<16xf32>
      %swap3A_982 = vector.shape_cast %get3A_976 : vector<16xf32> to vector<1x16xf32>
      tpu.vector_store %arg15[%swap3A_978, %swap3A_979], %swap3A_982 {strides = array<i32>} : memref<40x128xf32, #tpu.memory_space<vmem>>, vector<1x16xf32>,
      %get3A_983 = arith.constant 36 : i32
      %get3A_984 = arith.index_cast %get3A_983 : i32 to index
      %get3A_985 = arith.constant 0 : index
      %get3A_986 = tpu.vector_load %arg16[%get3A_984, %get3A_985] {strides = array<i32>} : memref<40x16xf32, #tpu.memory_space<vmem>>, vector<1x16xf32>,
      %get3A_987 = vector.shape_cast %get3A_986 : vector<1x16xf32> to vector<16xf32>
      %swap3A_988 = arith.constant 36 : i32
      %swap3A_989 = arith.index_cast %swap3A_988 : i32 to index
      %swap3A_990 = arith.constant 0 : index
      %swap3A_991 = tpu.vector_load %arg15[%swap3A_989, %swap3A_990] {strides = array<i32>} : memref<40x128xf32, #tpu.memory_space<vmem>>, vector<1x16xf32>,
      %swap3A_992 = vector.shape_cast %swap3A_991 : vector<1x16xf32> to vector<16xf32>
      %swap3A_993 = vector.shape_cast %get3A_987 : vector<16xf32> to vector<1x16xf32>
      tpu.vector_store %arg15[%swap3A_989, %swap3A_990], %swap3A_993 {strides = array<i32>} : memref<40x128xf32, #tpu.memory_space<vmem>>, vector<1x16xf32>,
      %get3A_994 = arith.constant 37 : i32
      %get3A_995 = arith.index_cast %get3A_994 : i32 to index
      %get3A_996 = arith.constant 0 : index
      %get3A_997 = tpu.vector_load %arg16[%get3A_995, %get3A_996] {strides = array<i32>} : memref<40x16xf32, #tpu.memory_space<vmem>>, vector<1x16xf32>,
      %get3A_998 = vector.shape_cast %get3A_997 : vector<1x16xf32> to vector<16xf32>
      %swap3A_999 = arith.constant 37 : i32
      %swap3A_1000 = arith.index_cast %swap3A_999 : i32 to index
      %swap3A_1001 = arith.constant 0 : index
      %swap3A_1002 = tpu.vector_load %arg15[%swap3A_1000, %swap3A_1001] {strides = array<i32>} : memref<40x128xf32, #tpu.memory_space<vmem>>, vector<1x16xf32>,
      %swap3A_1003 = vector.shape_cast %swap3A_1002 : vector<1x16xf32> to vector<16xf32>
      %swap3A_1004 = vector.shape_cast %get3A_998 : vector<16xf32> to vector<1x16xf32>
      tpu.vector_store %arg15[%swap3A_1000, %swap3A_1001], %swap3A_1004 {strides = array<i32>} : memref<40x128xf32, #tpu.memory_space<vmem>>, vector<1x16xf32>,
      %get3A_1005 = arith.constant 38 : i32
      %get3A_1006 = arith.index_cast %get3A_1005 : i32 to index
      %get3A_1007 = arith.constant 0 : index
      %get3A_1008 = tpu.vector_load %arg16[%get3A_1006, %get3A_1007] {strides = array<i32>} : memref<40x16xf32, #tpu.memory_space<vmem>>, vector<1x16xf32>,
      %get3A_1009 = vector.shape_cast %get3A_1008 : vector<1x16xf32> to vector<16xf32>
      %swap3A_1010 = arith.constant 38 : i32
      %swap3A_1011 = arith.index_cast %swap3A_1010 : i32 to index
      %swap3A_1012 = arith.constant 0 : index
      %swap3A_1013 = tpu.vector_load %arg15[%swap3A_1011, %swap3A_1012] {strides = array<i32>} : memref<40x128xf32, #tpu.memory_space<vmem>>, vector<1x16xf32>,
      %swap3A_1014 = vector.shape_cast %swap3A_1013 : vector<1x16xf32> to vector<16xf32>
      %swap3A_1015 = vector.shape_cast %get3A_1009 : vector<16xf32> to vector<1x16xf32>
      tpu.vector_store %arg15[%swap3A_1011, %swap3A_1012], %swap3A_1015 {strides = array<i32>} : memref<40x128xf32, #tpu.memory_space<vmem>>, vector<1x16xf32>,
      %get3A_1016 = arith.constant 39 : i32
      %get3A_1017 = arith.index_cast %get3A_1016 : i32 to index
      %get3A_1018 = arith.constant 0 : index
      %get3A_1019 = tpu.vector_load %arg16[%get3A_1017, %get3A_1018] {strides = array<i32>} : memref<40x16xf32, #tpu.memory_space<vmem>>, vector<1x16xf32>,
      %get3A_1020 = vector.shape_cast %get3A_1019 : vector<1x16xf32> to vector<16xf32>
      %swap3A_1021 = arith.constant 39 : i32
      %swap3A_1022 = arith.index_cast %swap3A_1021 : i32 to index
      %swap3A_1023 = arith.constant 0 : index
      %swap3A_1024 = tpu.vector_load %arg15[%swap3A_1022, %swap3A_1023] {strides = array<i32>} : memref<40x128xf32, #tpu.memory_space<vmem>>, vector<1x16xf32>,
      %swap3A_1025 = vector.shape_cast %swap3A_1024 : vector<1x16xf32> to vector<16xf32>
      %swap3A_1026 = vector.shape_cast %get3A_1020 : vector<16xf32> to vector<1x16xf32>
      tpu.vector_store %arg15[%swap3A_1022, %swap3A_1023], %swap3A_1026 {strides = array<i32>} : memref<40x128xf32, #tpu.memory_space<vmem>>, vector<1x16xf32>,
      "tpu.region"() ({
        %run_scoped3A = tpu.sem_alloc : memref<!tpu.dma_semaphore, #tpu.memory_space<semaphore_mem>>
        %dma_start3A = arith.constant 0 : i32
        %dma_start3A_1027 = arith.constant 0 : i32
        %dma_start3A_1028 = tpu.memref_slice %arg11[%dma_start3A, %dma_start3A_1027] : memref<10000x128xf32, #tpu.memory_space<vmem_shared>> -> memref<10000x128xf32, #tpu.memory_space<vmem_shared>>
        tpu.enqueue_indirect_dma source(%arg15 : memref<40x128xf32, #tpu.memory_space<vmem>>) target(%dma_start3A_1028 : memref<10000x128xf32, #tpu.memory_space<vmem_shared>>) offsets(%arg13 : memref<40xi32, #tpu.memory_space<vmem>>) semaphore(%run_scoped3A : memref<!tpu.dma_semaphore, #tpu.memory_space<semaphore_mem>>) {add = true}
        %dma_wait3A = arith.constant 0 : i32
        %dma_wait3A_1029 = arith.constant 0 : i32
        %dma_wait3A_1030 = tpu.memref_slice %arg11[%dma_wait3A, %dma_wait3A_1029] : memref<10000x128xf32, #tpu.memory_space<vmem_shared>> -> memref<10000x128xf32, #tpu.memory_space<vmem_shared>>
        tpu.wait_indirect_dma semaphore(%run_scoped3A : memref<!tpu.dma_semaphore, #tpu.memory_space<semaphore_mem>>) src(%arg15 : memref<40x128xf32, #tpu.memory_space<vmem>>) dst(%dma_wait3A_1030 : memref<10000x128xf32, #tpu.memory_space<vmem_shared>>)
        tpu.yield
      }) : () -> ()
    }
    %scan3A_557 = arith.constant 250 : i32
    %barrier3A_558 = arith.constant 0 : index
    tpu.barrier barrier_id(%barrier3A_558)
    %sub3A_559 = arith.subi %select_n3A_48, %select_n3A : i32
    %sub3A_560 = arith.constant 0 : i32
    %sub3A_561 = arith.subi %sub3A_559, %sub3A_560 : i32
    %sub3A_562 = arith.constant 1 : i32
    %sub3A_563 = arith.constant 1 : i32
    %sub3A_564 = arith.subi %sub3A_562, %sub3A_563 : i32
    %add3A_565 = arith.addi %sub3A_561, %sub3A_564 : i32
    %div3A_566 = arith.constant 1 : i32
    %div3A_567 = arith.divsi %add3A_565, %div3A_566 : i32
    %while3A_568 = arith.constant 1 : i32
    %while3A_569 = arith.constant 0 : i32
    %while3A_570 = arith.constant 0 : i32
    %while3A_571 = arith.subi %div3A_567, %while3A_570 : i32
    %while3A_572 = arith.addi %while3A_570, %while3A_571 : i32
    %while3A_573 = arith.constant 1 : i32
    %while3A_574 = arith.divsi %while3A_571, %while3A_573 : i32
    %while3A_575 = arith.muli %while3A_574, %while3A_573 : i32
    %while3A_576 = arith.addi %while3A_570, %while3A_575 : i32
    %while3A_577 = arith.constant 1 : i32
    scf.for %while3A_579 = %while3A_570 to %while3A_576 step %while3A_577  : i32 {
      %mul3A_580 = arith.muli %while3A_579, %while3A_568 : i32
      %add3A_581 = arith.addi %while3A_569, %mul3A_580 : i32
      %add3A_582 = arith.addi %select_n3A, %add3A_581 : i32
      %mul3A_583 = arith.constant 40 : i32
      %mul3A_584 = arith.muli %add3A_582, %mul3A_583 : i32
      "tpu.region"() ({
        %run_scoped3A = tpu.sem_alloc : memref<!tpu.dma_semaphore, #tpu.memory_space<semaphore_mem>>
        %dma_start3A_592 = tpu.memref_slice %arg8[%mul3A_584] : memref<10000xi32, #tpu.memory_space<hbm>> -> memref<40xi32, #tpu.memory_space<hbm>>
        %dma_start3A_593 = tpu.memref_slice %arg8[%mul3A_584] : memref<10000xi32, #tpu.memory_space<hbm>> -> memref<40xi32, #tpu.memory_space<hbm>>
        tpu.enqueue_dma source(%dma_start3A_593 : memref<40xi32, #tpu.memory_space<hbm>>) target(%arg18 : memref<40xi32, #tpu.memory_space<vmem>>) target_semaphore(%run_scoped3A : memref<!tpu.dma_semaphore, #tpu.memory_space<semaphore_mem>>)
        %dma_wait3A_594 = tpu.memref_slice %arg8[%mul3A_584] : memref<10000xi32, #tpu.memory_space<hbm>> -> memref<40xi32, #tpu.memory_space<hbm>>
        %dma_wait3A_595 = tpu.memref_slice %arg8[%mul3A_584] : memref<10000xi32, #tpu.memory_space<hbm>> -> memref<40xi32, #tpu.memory_space<hbm>>
        tpu.wait_dma2 semaphore(%run_scoped3A : memref<!tpu.dma_semaphore, #tpu.memory_space<semaphore_mem>>) src(%dma_wait3A_595 : memref<40xi32, #tpu.memory_space<hbm>>) dst(%arg18 : memref<40xi32, #tpu.memory_space<vmem>>)
        tpu.yield
      }) : () -> ()
      %dma_start3A = arith.constant 0 : i32
      %dma_start3A_585 = arith.constant 0 : i32
      %dma_start3A_586 = tpu.memref_slice %arg11[%dma_start3A, %dma_start3A_585] : memref<10000x128xf32, #tpu.memory_space<vmem_shared>> -> memref<10000x128xf32, #tpu.memory_space<vmem_shared>>
      tpu.enqueue_indirect_dma source(%dma_start3A_586 : memref<10000x128xf32, #tpu.memory_space<vmem_shared>>) target(%arg15 : memref<40x128xf32, #tpu.memory_space<vmem>>) offsets(%arg18 : memref<40xi32, #tpu.memory_space<vmem>>) semaphore(%arg19 : memref<!tpu.dma_semaphore, #tpu.memory_space<semaphore_mem>>)
      %dma_wait3A = arith.constant 0 : i32
      %dma_wait3A_587 = arith.constant 0 : i32
      %dma_wait3A_588 = tpu.memref_slice %arg11[%dma_wait3A, %dma_wait3A_587] : memref<10000x128xf32, #tpu.memory_space<vmem_shared>> -> memref<10000x128xf32, #tpu.memory_space<vmem_shared>>
      tpu.wait_indirect_dma semaphore(%arg19 : memref<!tpu.dma_semaphore, #tpu.memory_space<semaphore_mem>>) src(%dma_wait3A_588 : memref<10000x128xf32, #tpu.memory_space<vmem_shared>>) dst(%arg15 : memref<40x128xf32, #tpu.memory_space<vmem>>)
      %mul3A_589 = arith.constant 10000 : i32
      %mul3A_590 = arith.muli %arg0, %mul3A_589 : i32
      %add3A_591 = arith.addi %mul3A_590, %mul3A_584 : i32
      "tpu.region"() ({
        %run_scoped3A = tpu.sem_alloc : memref<!tpu.dma_semaphore, #tpu.memory_space<semaphore_mem>>
        %dma_start3A_592 = arith.constant 0 : i32
        %dma_start3A_593 = tpu.memref_slice %arg10[%add3A_591, %dma_start3A_592] : memref<20000x128xf32, #tpu.memory_space<hbm>> -> memref<40x128xf32, #tpu.memory_space<hbm>>
        %dma_start3A_594 = arith.constant 0 : i32
        %dma_start3A_595 = tpu.memref_slice %arg10[%add3A_591, %dma_start3A_594] : memref<20000x128xf32, #tpu.memory_space<hbm>> -> memref<40x128xf32, #tpu.memory_space<hbm>>
        tpu.enqueue_dma source(%arg15 : memref<40x128xf32, #tpu.memory_space<vmem>>) target(%dma_start3A_595 : memref<40x128xf32, #tpu.memory_space<hbm>>) target_semaphore(%run_scoped3A : memref<!tpu.dma_semaphore, #tpu.memory_space<semaphore_mem>>)
        %dma_wait3A_596 = arith.constant 0 : i32
        %dma_wait3A_597 = tpu.memref_slice %arg10[%add3A_591, %dma_wait3A_596] : memref<20000x128xf32, #tpu.memory_space<hbm>> -> memref<40x128xf32, #tpu.memory_space<hbm>>
        %dma_wait3A_598 = arith.constant 0 : i32
        %dma_wait3A_599 = tpu.memref_slice %arg10[%add3A_591, %dma_wait3A_598] : memref<20000x128xf32, #tpu.memory_space<hbm>> -> memref<40x128xf32, #tpu.memory_space<hbm>>
        tpu.wait_dma2 semaphore(%run_scoped3A : memref<!tpu.dma_semaphore, #tpu.memory_space<semaphore_mem>>) src(%arg15 : memref<40x128xf32, #tpu.memory_space<vmem>>) dst(%dma_wait3A_599 : memref<40x128xf32, #tpu.memory_space<hbm>>)
        tpu.yield
      }) : () -> ()
    }
    %while3A_578 = arith.constant 1 : i32
    scf.for %while3A_579 = %while3A_576 to %while3A_572 step %while3A_578  : i32 {
      %mul3A_580 = arith.muli %while3A_579, %while3A_568 : i32
      %add3A_581 = arith.addi %while3A_569, %mul3A_580 : i32
      %add3A_582 = arith.addi %select_n3A, %add3A_581 : i32
      %mul3A_583 = arith.constant 40 : i32
      %mul3A_584 = arith.muli %add3A_582, %mul3A_583 : i32
      "tpu.region"() ({
        %run_scoped3A = tpu.sem_alloc : memref<!tpu.dma_semaphore, #tpu.memory_space<semaphore_mem>>
        %dma_start3A_592 = tpu.memref_slice %arg8[%mul3A_584] : memref<10000xi32, #tpu.memory_space<hbm>> -> memref<40xi32, #tpu.memory_space<hbm>>
        %dma_start3A_593 = tpu.memref_slice %arg8[%mul3A_584] : memref<10000xi32, #tpu.memory_space<hbm>> -> memref<40xi32, #tpu.memory_space<hbm>>
        tpu.enqueue_dma source(%dma_start3A_593 : memref<40xi32, #tpu.memory_space<hbm>>) target(%arg18 : memref<40xi32, #tpu.memory_space<vmem>>) target_semaphore(%run_scoped3A : memref<!tpu.dma_semaphore, #tpu.memory_space<semaphore_mem>>)
        %dma_wait3A_594 = tpu.memref_slice %arg8[%mul3A_584] : memref<10000xi32, #tpu.memory_space<hbm>> -> memref<40xi32, #tpu.memory_space<hbm>>
        %dma_wait3A_595 = tpu.memref_slice %arg8[%mul3A_584] : memref<10000xi32, #tpu.memory_space<hbm>> -> memref<40xi32, #tpu.memory_space<hbm>>
        tpu.wait_dma2 semaphore(%run_scoped3A : memref<!tpu.dma_semaphore, #tpu.memory_space<semaphore_mem>>) src(%dma_wait3A_595 : memref<40xi32, #tpu.memory_space<hbm>>) dst(%arg18 : memref<40xi32, #tpu.memory_space<vmem>>)
        tpu.yield
      }) : () -> ()
      %dma_start3A = arith.constant 0 : i32
      %dma_start3A_585 = arith.constant 0 : i32
      %dma_start3A_586 = tpu.memref_slice %arg11[%dma_start3A, %dma_start3A_585] : memref<10000x128xf32, #tpu.memory_space<vmem_shared>> -> memref<10000x128xf32, #tpu.memory_space<vmem_shared>>
      tpu.enqueue_indirect_dma source(%dma_start3A_586 : memref<10000x128xf32, #tpu.memory_space<vmem_shared>>) target(%arg15 : memref<40x128xf32, #tpu.memory_space<vmem>>) offsets(%arg18 : memref<40xi32, #tpu.memory_space<vmem>>) semaphore(%arg19 : memref<!tpu.dma_semaphore, #tpu.memory_space<semaphore_mem>>)
      %dma_wait3A = arith.constant 0 : i32
      %dma_wait3A_587 = arith.constant 0 : i32
      %dma_wait3A_588 = tpu.memref_slice %arg11[%dma_wait3A, %dma_wait3A_587] : memref<10000x128xf32, #tpu.memory_space<vmem_shared>> -> memref<10000x128xf32, #tpu.memory_space<vmem_shared>>
      tpu.wait_indirect_dma semaphore(%arg19 : memref<!tpu.dma_semaphore, #tpu.memory_space<semaphore_mem>>) src(%dma_wait3A_588 : memref<10000x128xf32, #tpu.memory_space<vmem_shared>>) dst(%arg15 : memref<40x128xf32, #tpu.memory_space<vmem>>)
      %mul3A_589 = arith.constant 10000 : i32
      %mul3A_590 = arith.muli %arg0, %mul3A_589 : i32
      %add3A_591 = arith.addi %mul3A_590, %mul3A_584 : i32
      "tpu.region"() ({
        %run_scoped3A = tpu.sem_alloc : memref<!tpu.dma_semaphore, #tpu.memory_space<semaphore_mem>>
        %dma_start3A_592 = arith.constant 0 : i32
        %dma_start3A_593 = tpu.memref_slice %arg10[%add3A_591, %dma_start3A_592] : memref<20000x128xf32, #tpu.memory_space<hbm>> -> memref<40x128xf32, #tpu.memory_space<hbm>>
        %dma_start3A_594 = arith.constant 0 : i32
        %dma_start3A_595 = tpu.memref_slice %arg10[%add3A_591, %dma_start3A_594] : memref<20000x128xf32, #tpu.memory_space<hbm>> -> memref<40x128xf32, #tpu.memory_space<hbm>>
        tpu.enqueue_dma source(%arg15 : memref<40x128xf32, #tpu.memory_space<vmem>>) target(%dma_start3A_595 : memref<40x128xf32, #tpu.memory_space<hbm>>) target_semaphore(%run_scoped3A : memref<!tpu.dma_semaphore, #tpu.memory_space<semaphore_mem>>)
        %dma_wait3A_596 = arith.constant 0 : i32
        %dma_wait3A_597 = tpu.memref_slice %arg10[%add3A_591, %dma_wait3A_596] : memref<20000x128xf32, #tpu.memory_space<hbm>> -> memref<40x128xf32, #tpu.memory_space<hbm>>
        %dma_wait3A_598 = arith.constant 0 : i32
        %dma_wait3A_599 = tpu.memref_slice %arg10[%add3A_591, %dma_wait3A_598] : memref<20000x128xf32, #tpu.memory_space<hbm>> -> memref<40x128xf32, #tpu.memory_space<hbm>>
        tpu.wait_dma2 semaphore(%run_scoped3A : memref<!tpu.dma_semaphore, #tpu.memory_space<semaphore_mem>>) src(%arg15 : memref<40x128xf32, #tpu.memory_space<vmem>>) dst(%dma_wait3A_599 : memref<40x128xf32, #tpu.memory_space<hbm>>)
        tpu.yield
      }) : () -> ()
    }
    return
  }
}

module attributes {stable_mosaic.version = 14 : i64} {
  func.func @_tc_body(%arg0: i32, %arg1: memref<1000x128xf32, #tpu.memory_space<vmem>>, %arg2: memref<1000x128xf32, #tpu.memory_space<vmem>>, %arg3: memref<1000x128xf32, #tpu.memory_space<vmem>>, %arg4: memref<1000x128xf32, #tpu.memory_space<vmem>>, %arg5: memref<1000x128xf32, #tpu.memory_space<vmem>>, %arg6: memref<128x128xf32, #tpu.memory_space<vmem>>, %arg7: memref<128x128xf32, #tpu.memory_space<vmem>>, %arg8: memref<16x128xf32, #tpu.memory_space<vmem>>, %arg9: memref<1x128xf32, #tpu.memory_space<vmem>>, %arg10: memref<1000x128xf32, #tpu.memory_space<vmem>>) attributes {dimension_semantics = [#tpu.dimension_semantics<arbitrary>], iteration_bounds = array<i64: 10>, scalar_prefetch = 0 : i64, scratch_operands = 0 : i64, tpu.core_type = #tpu.core_type<tc>, window_params = [{transform_indices = @transform_0, window_bounds = array<i64: 1000, 128>}, {transform_indices = @transform_1, window_bounds = array<i64: 1000, 128>}, {transform_indices = @transform_2, window_bounds = array<i64: 1000, 128>}, {transform_indices = @transform_3, window_bounds = array<i64: 1000, 128>}, {transform_indices = @transform_4, window_bounds = array<i64: 1000, 128>}, {pipeline_mode = #tpu.pipeline_mode<synchronous>, transform_indices = @transform_5, window_bounds = array<i64: 128, 128>}, {pipeline_mode = #tpu.pipeline_mode<synchronous>, transform_indices = @transform_6, window_bounds = array<i64: 128, 128>}, {pipeline_mode = #tpu.pipeline_mode<synchronous>, transform_indices = @transform_7, window_bounds = array<i64: 16, 128>}, {pipeline_mode = #tpu.pipeline_mode<synchronous>, transform_indices = @transform_8, window_bounds = array<i64: 1, 128>}, {transform_indices = @transform_9, window_bounds = array<i64: 1000, 128>}]} {
    %get3A = arith.constant 0 : index
    %get3A_0 = arith.constant 0 : index
    %get3A_1 = vector.load %arg4[%get3A, %get3A_0] : memref<1000x128xf32, #tpu.memory_space<vmem>>, vector<1000x128xf32>
    %get3A_2 = arith.constant 0 : index
    %get3A_3 = arith.constant 0 : index
    %get3A_4 = vector.load %arg5[%get3A_2, %get3A_3] : memref<1000x128xf32, #tpu.memory_space<vmem>>, vector<1000x128xf32>
    %add3A = arith.addf %get3A_1, %get3A_4 : vector<1000x128xf32>
    %slice3A = vector.extract_strided_slice %add3A {offsets = [0, 16], sizes = [1000, 1], strides = [1, 1]} : vector<1000x128xf32> to vector<1000x1xf32>
    %get3A_5 = arith.constant 0 : index
    %get3A_6 = arith.constant 0 : index
    %get3A_7 = vector.load %arg1[%get3A_5, %get3A_6] : memref<1000x128xf32, #tpu.memory_space<vmem>>, vector<1000x128xf32>
    %get3A_8 = arith.constant 0 : index
    %get3A_9 = arith.constant 0 : index
    %get3A_10 = vector.load %arg6[%get3A_8, %get3A_9] : memref<128x128xf32, #tpu.memory_space<vmem>>, vector<128x128xf32>
    %dot_general3A = arith.constant dense<0.000000e+00> : vector<1000x128xf32>
    %dot_general3A_11 = tpu.matmul %get3A_7, %get3A_10, %dot_general3A {dimension_numbers = #tpu.dot_dimension_numbers<[1], [0], [0], [1], [0, 0, 1, 1], [], []>, transpose_lhs_hint = false} : vector<1000x128xf32>, vector<128x128xf32>, vector<1000x128xf32> -> vector<1000x128xf32>
    %get3A_12 = arith.constant 0 : index
    %get3A_13 = arith.constant 0 : index
    %get3A_14 = vector.load %arg9[%get3A_12, %get3A_13] : memref<1x128xf32, #tpu.memory_space<vmem>>, vector<1x128xf32>
    %add3A_15 = vector.broadcast %get3A_14 : vector<1x128xf32> to vector<1000x128xf32>
    %add3A_16 = arith.addf %dot_general3A_11, %add3A_15 : vector<1000x128xf32>
    %mul3A = vector.broadcast %slice3A : vector<1000x1xf32> to vector<1000x128xf32>
    %mul3A_17 = arith.mulf %add3A_16, %mul3A : vector<1000x128xf32>
    %get3A_18 = arith.constant 0 : index
    %get3A_19 = arith.constant 0 : index
    %get3A_20 = vector.load %arg2[%get3A_18, %get3A_19] : memref<1000x128xf32, #tpu.memory_space<vmem>>, vector<1000x128xf32>
    %get3A_21 = arith.constant 0 : index
    %get3A_22 = arith.constant 0 : index
    %get3A_23 = vector.load %arg3[%get3A_21, %get3A_22] : memref<1000x128xf32, #tpu.memory_space<vmem>>, vector<1000x128xf32>
    %add3A_24 = arith.addf %get3A_20, %get3A_23 : vector<1000x128xf32>
    %get3A_25 = arith.constant 0 : index
    %get3A_26 = arith.constant 0 : index
    %get3A_27 = vector.load %arg7[%get3A_25, %get3A_26] : memref<128x128xf32, #tpu.memory_space<vmem>>, vector<128x128xf32>
    %dot_general3A_28 = arith.constant dense<0.000000e+00> : vector<1000x128xf32>
    %dot_general3A_29 = tpu.matmul %add3A_24, %get3A_27, %dot_general3A_28 {dimension_numbers = #tpu.dot_dimension_numbers<[1], [0], [0], [1], [0, 0, 1, 1], [], []>, transpose_lhs_hint = false} : vector<1000x128xf32>, vector<128x128xf32>, vector<1000x128xf32> -> vector<1000x128xf32>
    %add3A_30 = arith.addf %mul3A_17, %dot_general3A_29 : vector<1000x128xf32>
    %slice3A_31 = vector.extract_strided_slice %add3A {offsets = [0, 0], sizes = [1000, 16], strides = [1, 1]} : vector<1000x128xf32> to vector<1000x16xf32>
    %get3A_32 = arith.constant 0 : index
    %get3A_33 = arith.constant 0 : index
    %get3A_34 = vector.load %arg8[%get3A_32, %get3A_33] : memref<16x128xf32, #tpu.memory_space<vmem>>, vector<16x128xf32>
    %dot_general3A_35 = arith.constant dense<0.000000e+00> : vector<1000x128xf32>
    %dot_general3A_36 = tpu.matmul %slice3A_31, %get3A_34, %dot_general3A_35 {dimension_numbers = #tpu.dot_dimension_numbers<[1], [0], [0], [1], [0, 0, 1, 1], [], []>, transpose_lhs_hint = false} : vector<1000x16xf32>, vector<16x128xf32>, vector<1000x128xf32> -> vector<1000x128xf32>
    %add3A_37 = arith.addf %add3A_30, %dot_general3A_36 : vector<1000x128xf32>
    %swap3A = arith.constant 0 : index
    %swap3A_38 = arith.constant 0 : index
    %swap3A_39 = vector.load %arg10[%swap3A, %swap3A_38] : memref<1000x128xf32, #tpu.memory_space<vmem>>, vector<1000x128xf32>
    tpu.vector_store %arg10[%swap3A, %swap3A_38], %add3A_37 {strides = array<i32>} : memref<1000x128xf32, #tpu.memory_space<vmem>>, vector<1000x128xf32>,
    return
  }
  func.func @transform_0(%arg0: i32) -> (i32, i32) {
    %c0_i32 = arith.constant 0 : i32
    %c0_i32_0 = arith.constant 0 : i32
    return %arg0, %c0_i32 : i32, i32
  }
  func.func @transform_1(%arg0: i32) -> (i32, i32) {
    %c0_i32 = arith.constant 0 : i32
    %c0_i32_0 = arith.constant 0 : i32
    return %arg0, %c0_i32 : i32, i32
  }
  func.func @transform_2(%arg0: i32) -> (i32, i32) {
    %add3A = arith.constant 10 : i32
    %add3A_0 = arith.addi %arg0, %add3A : i32
    %c0_i32 = arith.constant 0 : i32
    %c0_i32_1 = arith.constant 0 : i32
    return %add3A_0, %c0_i32 : i32, i32
  }
  func.func @transform_3(%arg0: i32) -> (i32, i32) {
    %c0_i32 = arith.constant 0 : i32
    %c0_i32_0 = arith.constant 0 : i32
    return %arg0, %c0_i32 : i32, i32
  }
  func.func @transform_4(%arg0: i32) -> (i32, i32) {
    %add3A = arith.constant 10 : i32
    %add3A_0 = arith.addi %arg0, %add3A : i32
    %c0_i32 = arith.constant 0 : i32
    %c0_i32_1 = arith.constant 0 : i32
    return %add3A_0, %c0_i32 : i32, i32
  }
  func.func @transform_5(%arg0: i32) -> (i32, i32) {
    %c0_i32 = arith.constant 0 : i32
    %c0_i32_0 = arith.constant 0 : i32
    %c0_i32_1 = arith.constant 0 : i32
    return %c0_i32, %c0_i32_0 : i32, i32
  }
  func.func @transform_6(%arg0: i32) -> (i32, i32) {
    %c0_i32 = arith.constant 0 : i32
    %c0_i32_0 = arith.constant 0 : i32
    %c0_i32_1 = arith.constant 0 : i32
    return %c0_i32, %c0_i32_0 : i32, i32
  }
  func.func @transform_7(%arg0: i32) -> (i32, i32) {
    %c0_i32 = arith.constant 0 : i32
    %c0_i32_0 = arith.constant 0 : i32
    %c0_i32_1 = arith.constant 0 : i32
    return %c0_i32, %c0_i32_0 : i32, i32
  }
  func.func @transform_8(%arg0: i32) -> (i32, i32) {
    %c0_i32 = arith.constant 0 : i32
    %c0_i32_0 = arith.constant 0 : i32
    %c0_i32_1 = arith.constant 0 : i32
    return %c0_i32, %c0_i32_0 : i32, i32
  }
  func.func @transform_9(%arg0: i32) -> (i32, i32) {
    %c0_i32 = arith.constant 0 : i32
    %c0_i32_0 = arith.constant 0 : i32
    return %arg0, %c0_i32 : i32, i32
  }
}

</mosaic_0001>

<sc_bundles>
// kernel: kernel.4.cloned.1.call-start
scs
__scs_entry_jumppad:
0x0: {  	(pc) =	sbr.rel $0x88, $3  }
0x1: {  	(tag) =	ssettag $0x0;
	lr =	simm.s32 $0x1  }
0x2: {  	[smem:$0x3F9C] =	sst lr;
	_ =	strace $0xD0000000  }
0x3: {  	_ = 	snop  }
0x4: {  	_ = 	snop  }
0x5: {  	_ = 	snop  }
0x6: {  	_ = 	snop  }
0x7: {  	_ = 	snop  }
__scs_overlays_trampoline_lowered:
0x8: {  	[smem:$0x3FAB] =	sst s0  }
0x9: {  	[smem:$0x3FAC] =	sst s1  }
0xa: {  	[smem:$0x3FAD] =	sst s2  }
0xb: {  	[smem:$0x3FAE] =	sst s3  }
0xc: {  	[smem:$0x3FAF] =	sst s4  }
0xd: {  	[smem:$0x3FB0] =	sst s5  }
0xe: {  	[smem:$0x3FB1] =	sst s6  }
0xf: {  	[smem:$0x3FB2] =	sst s7  }
0x10: {  	[smem:$0x3FB3] =	sst s8  }
0x11: {  	[smem:$0x3FB4] =	sst s9;
	s0 =	simm.s32 @!p0 $0x0  }
0x12: {  	s1 =	sld [smem:$0x3F9A];
	s0 =	simm.s32 @p0 $0x1  }
0x13: {  	[smem:$0x3FB5] =	sst s0;
	s0 =	simm.s32 @!p1 $0x0  }
0x14: {  	s2 =	sld [smem:$0x3F99];
	s0 =	simm.s32 @p1 $0x1  }
0x15: {  	[smem:$0x3FB6] =	sst s0;
	s0 =	simm.s32 @!p2 $0x0  }
0x16: {  	s3 =	sld [smem:$0x3FDB];
	s0 =	simm.s32 @p2 $0x1  }
0x17: {  	s4 =	simm.s32 $0x1BF5;
	[smem:$0x3FB8] =	sst s0  }
0x18: {  	s0 =	sld [smem:$0x3F9B];
	_ =	swait.ge [sflag:s4], $0x0  }
0x19: {  	s7 =	sld [smem:$0x3F9C]  }
0x1a: {  	s8 =	sadd.s32 $0xFFFFE003, lr  }
0x1b: {  	s9 =	sadd.s32 $0xFFFFFEF7, lr;
	s5 =	simm.s32 $0xFFFFFFFF;
	p2 =	slt.u32 s8, $0xFFFFF086  }
0x1c: {  	p1 =	slt.u32 s9, $0xF7A;
	s5 =	simm.s32 @!p2 $0x0  }
0x1d: {  	s5 =	simm.s32 @p1 $0x1;
	p0 =	seq.s32 s7, s2  }
0x1e: {  	s7 =	smul.u32 @!p0 $0xF7A, s2;
	p2 =	seq.s32 @!p0 s5, $0x0  }
0x1f: {  	s9 =	smul.u32 $0xF7A, s1;
	s8 =	simm.s32 @!p0 $0x1BF5;
	p2 =	por !p2, p0  }
0x20: {  	[sflag:s8] =	ssyncset.s32 @!p0 $0xFFFFF086;
	s6 =	sadd.s32 @!p0 s3, s7;
	s7 =	simm.s32 @!p0 $0x108  }
0x21: {  	s3 =	sadd.s32 s3, s9;
	s6 =	sadd.s32 @!p0 $0x88, s6;
	s7 =	simm.s32 @p2 $0x1082  }
0x22: {  	[simem:s7], [sflag:s8] =	dma.local @!p0 [hbm:s6], $0xF7A  }
0x23: {  	s9 =	sor.u32 $0xD0000000, s2;
	s6 =	simm.s32 $0x108;
	_ =	swait.ge @!p0 [sflag:s8], $0x0  }
0x24: {  	s3 =	sadd.s32 $0x88, s3;
	s6 =	simm.s32 @!p1 $0x1082;
	[sflag:s4] =	ssyncset.s32 $0xFFFFF086  }
0x25: {  	[simem:s6], [sflag:s4] =	dma.local [hbm:s3], $0xF7A  }
0x26: {  	[smem:$0x3F9C] =	sst s1;
	(tag) =	ssettag s2;
	_ =	strace s9  }
0x27: {  	s1 =	sld [smem:$0x3FAC]  }
0x28: {  	s2 =	sld [smem:$0x3FAD]  }
0x29: {  	s4 =	sld [smem:$0x3FAF]  }
0x2a: {  	p0 =	seq.s32 s5, $0x0;
	s5 =	sld [smem:$0x3FB0]  }
0x2b: {  	s6 =	sld [smem:$0x3FB1]  }
0x2c: {  	s7 =	sld [smem:$0x3FB2]  }
0x2d: {  	s3 =	simm.s32 $0x108;
	s8 =	sld [smem:$0x3FB3]  }
0x2e: {  	s3 =	simm.s32 @!p0 $0x1082;
	s9 =	sld [smem:$0x3FB4]  }
0x2f: {  	lr =	sadd.s32 s0, s3;
	s0 =	sld [smem:$0x3FAB]  }
0x30: {  	s3 =	sld [smem:$0x3FAE]  }
0x31: {  	[smem:$0x3FB7] =	sst s10  }
0x32: {  	s10 =	sld [smem:$0x3FB5];
	_ =	sdelay $0x3  }
0x33: {  	p0 =	seq.s32 s10, $0x1;
	s10 =	sld [smem:$0x3FB7];
	_ =	sdelay $0x3  }
0x34: {  	[smem:$0x3FB7] =	sst s10  }
0x35: {  	s10 =	sld [smem:$0x3FB6];
	_ =	sdelay $0x3  }
0x36: {  	p1 =	seq.s32 s10, $0x1;
	s10 =	sld [smem:$0x3FB7];
	_ =	sdelay $0x3  }
0x37: {  	[smem:$0x3FB7] =	sst s10  }
0x38: {  	s10 =	sld [smem:$0x3FB8]  }
0x39: {  	_ = 	snop;
	(pc) =	sbr.ind lr, $3  }
0x3a: {  	_ = 	snop  }
0x3b: {  	_ = 	snop  }
0x3c: {  	p2 =	seq.s32 s10, $0x1;
	s10 =	sld [smem:$0x3FB7]  }
0x3d: {  	_ =	shalt  }
0x3e: {  	_ =	shalt  }
0x3f: {  	_ =	shalt  }
0x40: {  	_ =	shalt  }
0x41: {  	_ =	shalt  }
0x42: {  	_ =	shalt  }
0x43: {  	_ =	shalt  }
0x44: {  	_ =	shalt  }
0x45: {  	_ =	shalt  }
0x46: {  	_ =	shalt  }
0x47: {  	_ =	shalt  }
0x48: {  	_ =	shalt  }
0x49: {  	_ =	shalt  }
0x4a: {  	_ =	shalt  }
0x4b: {  	_ =	shalt  }
0x4c: {  	_ =	shalt  }
0x4d: {  	_ =	shalt  }
0x4e: {  	_ =	shalt  }
0x4f: {  	_ =	shalt  }
0x50: {  	_ =	shalt  }
0x51: {  	_ =	shalt  }
0x52: {  	_ =	shalt  }
0x53: {  	_ =	shalt  }
0x54: {  	_ =	shalt  }
0x55: {  	_ =	shalt  }
0x56: {  	_ =	shalt  }
0x57: {  	_ =	shalt  }
0x58: {  	_ =	shalt  }
0x59: {  	_ =	shalt  }
0x5a: {  	_ =	shalt  }
0x5b: {  	_ =	shalt  }
0x5c: {  	_ =	shalt  }
0x5d: {  	_ =	shalt  }
0x5e: {  	_ =	shalt  }
0x5f: {  	_ =	shalt  }
0x60: {  	_ =	shalt  }
0x61: {  	_ =	shalt  }
0x62: {  	_ =	shalt  }
0x63: {  	_ =	shalt  }
0x64: {  	_ =	shalt  }
0x65: {  	_ =	shalt  }
0x66: {  	_ =	shalt  }
0x67: {  	_ =	shalt  }
0x68: {  	_ =	shalt  }
0x69: {  	_ =	shalt  }
0x6a: {  	_ =	shalt  }
0x6b: {  	_ =	shalt  }
0x6c: {  	_ =	shalt  }
0x6d: {  	_ =	shalt  }
0x6e: {  	_ =	shalt  }
0x6f: {  	_ =	shalt  }
0x70: {  	_ =	shalt  }
0x71: {  	_ =	shalt  }
0x72: {  	_ =	shalt  }
0x73: {  	_ =	shalt  }
0x74: {  	_ =	shalt  }
0x75: {  	_ =	shalt  }
0x76: {  	_ =	shalt  }
0x77: {  	_ =	shalt  }
0x78: {  	_ =	shalt  }
0x79: {  	_ =	shalt  }
0x7a: {  	_ =	shalt  }
0x7b: {  	_ =	shalt  }
0x7c: {  	_ =	shalt  }
0x7d: {  	_ =	shalt  }
0x7e: {  	_ =	shalt  }
0x7f: {  	_ =	shalt  }
0x80: {  	_ =	shalt  }
0x81: {  	_ =	shalt  }
0x82: {  	_ =	shalt  }
0x83: {  	_ =	shalt  }
0x84: {  	_ =	shalt  }
0x85: {  	_ =	shalt  }
0x86: {  	_ =	shalt  }
0x87: {  	_ =	shalt  }
.Lfunc_end0:
.L_simem_size_0:
called_computation_lowered:
.L_overlay_start_0:
0x88: {  	s2 =	sld [smem:$0x3FD9]  }
0x89: {  	s3 =	sld [smem:$0x3FFE];
	_ =	sdelay $0x1  }
0x8a: {  	s1 =	srdreg.scid  }
0x8b: {  	s0 =	sand.u32 $0x1, s1  }
0x8c: {  	s17 =	sshll.u32 s0, $0xA;
	s2 =	sadd.s32 s3, s2  }
0x8d: {  	s2 =	sadd.s32 s2, s17  }
0x8e: {  	[smem:$0x3FC3] =	sst s2  }
0x8f: {  	_ = 	snop  }
0x90: {  	s2 =	sld [smem:$0x3FC9]  }
0x91: {  	s18 =	sld [smem:$0x3FD0];
	(tm) =	ssettm $0x1  }
0x92: {  	s4 =	sld [smem:$0x3FFB];
	_ =	sdelay $0x3  }
0x93: {  	_ =	strace s4  }
0x94: {  	s4 =	sld [smem:$0x3FFC];
	_ =	sdelay $0x3  }
0x95: {  	_ =	strace s4  }
0x96: {  	s4 =	sld [smem:$0x3FFD];
	_ =	sdelay $0x3  }
0x97: {  	_ =	strace s4  }
0x98: {  	_ =	strace $0x8FFFFFFF  }
0x99: {  	s19 =	sld [smem:$0x3FDB];
	_ =	sdelay $0x1  }
0x9a: {  	s5 =	simm.s32 $_scs_section_size  }
0x9b: {  	s6 =	simm.s32 $_size__tile_overlayer_lowered;
	s7 =	simm.s32 $_tile_overlayer_lowered  }
0x9c: {  	s22 =	simm.s32 $0x1BFF;
	s21 =	sshll.u32 s7, $0x1;
	s4 =	sadd.s32 s5, s19  }
0x9d: {  	s8 =	simm.s32 $0x0;
	s20 =	sshll.u32 s6, $0x1;
	s6 =	sadd.s32 s21, s4  }
0x9e: {  	[timem:s8], [sflag:s22] =	dma.local [hbm:s6], s20  }
0x9f: {  	_ =	swait.ge [sflag:s22], s20  }
0xa0: {  	s5 =	ssub.s32 $0x0, s20;
	[sflag:s22] =	ssyncset.done $0x0  }
0xa1: {  	[sflag:s22] =	ssyncadd.s32 s5;
	_ =	sdelay $0x1  }
0xa2: {  	s23 =	simm.s32 $0x1B8B  }
0xa3: {  	_ =	swait.ge [sflag:s23], $0x1  }
0xa4: {  	[sflag:s23] =	ssyncset.done $0x0  }
0xa5: {  	s25 =	simm.s32 $0x1B8E;
	s24 =	sld [smem:$0x3FFE];
	[sflag:s23] =	ssyncadd.s32 $0xFFFFFFFF  }
0xa6: {  	s26 =	simm.s32 $execute0_lowered;
	[smem:$0x3FD2] =	sst s25  }
0xa7: {  	s6 =	sshll.u32 s26, $0x1;
	_ =	strace $0x80000046;
	[dreg:$0x1] =	wrdreg $0xFFFFFFFF  }
0xa8: {  	s28 =	simm.s32 $_size_execute0_lowered;
	s4 =	sadd.s32 s4, s6;
	[dreg:$0x0] =	wrdreg $0x0  }
0xa9: {  	s6 =	sshll.u32 s28, $0x1;
	[dreg:$0x2] =	wrdreg s4  }
0xaa: {  	[dreg:$0x3] =	wrdreg s6  }
0xab: {  	[dreg:$0x4] =	wrdreg $0xC0  }
0xac: {  	_ =	task [dreg:s8], $0x5FFFF  }
0xad: {  	[dreg:$0x1] =	wrdreg $0xFFFFFFFF  }
0xae: {  	[dreg:$0x0] =	wrdreg $0x60  }
0xaf: {  	[dreg:$0x2] =	wrdreg s2  }
0xb0: {  	[dreg:$0x3] =	wrdreg s24  }
0xb1: {  	[dreg:$0x4] =	wrdreg s18  }
0xb2: {  	[dreg:$0x5] =	wrdreg $0x0  }
0xb3: {  	[dreg:$0x6] =	wrdreg $0x9  }
0xb4: {  	_ =	task.clear_ibuf [dreg:s8], $0x7FFFF;
	_ =	strace $0x90000046  }
0xb5: {  	s29 =	simm.s32 $0x9;
	_ =	strace $0x80000048  }
0xb6: {  	_ =	swait.ge [sflag:s29], $0x1  }
0xb7: {  	[sflag:s29] =	ssyncadd.s32 $0xFFFFFFFF  }
0xb8: {  	_ =	strace $0x90000048  }
0xb9: {  	_ =	sfence  }
0xba: {  	s30 =	sld [smem:$0x0];
	_ =	sdelay $0x2  }
0xbb: {  	s31 =	sshll.u32 s1, $0xD;
	s1 =	sshrl.u32 s1, $0x2  }
0xbc: {  	s3 =	sand.u32 $0x4000, s31;
	s1 =	sadd.s32 s1, s30  }
0xbd: {  	s0 =	sor.u32 s3, s0;
	s1 =	sshll.u32 s1, $0x11  }
0xbe: {  	s0 =	sor.u32 s1, s0  }
0xbf: {  	s0 =	sadd.s32 $0x8F2B, s0  }
0xc0: {  	[sflag:s0] =	ssyncadd.remote.s32 $0x1  }
0xc1: {  	_ =	sfence.sel $0xFFFF  }
0xc2: {  	[dreg:$0x0] =	wrdreg $0xFFFFFFFF;
	(pc) =	sbr.abs _section_cstart, $3  }
0xc3: {  	[dreg:$0x1] =	wrdreg $0xFFFFFFFF  }
0xc4: {  	_ =	task.clear_ibuf [dreg:s8], $0x2FFFF;
	_ =	strace $0x9FFFFFFF  }
0xc5: {  	(tm) =	ssettm $0x7FFFFFFF  }
tec
execute0_lowered:
.L_overlay_start_1:
0x0: {  	(tag) =	ssettag $0x1  }
0x1: {  	s1 =	rddreg [dreg:$0x0]  }
0x2: {  	s7 =	rddreg [dreg:$0x1]  }
0x3: {  	s10 =	rddreg [dreg:$0x2]  }
0x4: {  	s3 =	rddreg [dreg:$0x3]  }
0x5: {  	s0 =	srdreg.scid;
	s2 =	rddreg [dreg:$0x4]  }
0x6: {  	s4 =	simm.s32 $0x0;
	s18 =	simm.s32 $0x28;
	s19 =	simm.s32 $0x13880  }
0x7: {  	s20 =	simm.s32 $0x13900;
	s21 =	simm.s32 $0x1;
	s8 =	sand.u32 $0x1, s0  }
0x8: {  	s22 =	simm.s32 $0x14D80;
	s0 =	stileid.u32;
	s5 =	smul.u32 $0x2710, s8  }
0x9: {  	s23 =	simm.s32 $0x17580;
	s24 =	simm.s32 $0x16180;
	s6 =	smul.u32 $0x4E20, s0  }
0xa: {  	s25 =	simm.s32 $0x0;
	[smem:$0x7FF] =	sst s4;
	s9 =	smul.u32 $0xFA, s0  }
0xb: {  	_ =	strace $0x80000047;
	s15 =	smul.u32 $0x27100, s8;
	s28 =	ssub.s32 $0x2, s8  }
0xc: {  	s17 =	smul.u32 $0x4E200, s0;
	s30 =	sshrl.u32 s28, $0x1;
	s5 =	sadd.s32 s5, s6  }
0xd: {  	s11 =	sshrl.u32 s9, $0x4;
	s6 =	sadd.s32 $0x4ED000, s7;
	s15 =	sadd.s32 s15, s7  }
0xe: {  	s29 =	sadd.s32 $0xFA, s9;
	s9 =	ssub.s32 s28, s30;
	s12 =	sshrl.u32 s5, $0x3  }
0xf: {  	s13 =	smul.u32 $0x5, s11;
	s5 =	sadd.s32 $0x4ED400, s7;
	s8 =	sshrl.u32 s29, $0x4  }
0x10: {  	s16 =	smul.u32 $0x280, s11;
	s31 =	sadd.s32 s17, s15;
	s17 =	simm.s32 $0x18980  }
.Ltmp0:
0x11: {  	s14 =	sadd.s32 s12, s7;
	s10 =	sadd.s32 s12, s10;
	(pc) =	sbr.rel .LBB2_1-.Ltmp0, $4  }
0x12: {  	s13 =	sadd.s32 s13, s7;
	s7 =	ssub.s32 s8, s11;
	s8 =	smax.u32 s9, $0x1  }
0x13: {  	s16 =	sadd.s32 s16, s15;
	s12 =	sadd.s32 $0xC00, s14;
	s9 =	sadd.s32 $0x4ECA00, s13  }
0x14: {  	s15 =	simm.s32 $0x13980;
	s11 =	sadd.s32 $0x4ED800, s16;
	s13 =	sadd.s32 $0xAA00, s31  }
0x15: {  	s14 =	sadd.s32 $0x53BA00, s16;
	p0 =	slt.s32 s7, $0x1;
	s16 =	simm.s32 $0x2  }
.LBB2_19:
0x16: {  	[sflag:s16] =	ssyncadd.s32 $0xFFFFEC00  }
.LBB2_20:
0x17: {  	s25 =	sadd.s32 $0x1, s25  }
0x18: {  	p1 =	sne.s32 s25, s8  }
.Ltmp1:
0x19: {  	_ = 	snop;
	(pc) =	sbr.rel @!p1 .LBB2_21-.Ltmp1, $1  }
0x1a: {  	_ =	sdelay $0x3  }
.LBB2_1:
.Ltmp2:
0x1b: {  	(pc) =	sbr.rel @p0 .LBB2_5-.Ltmp2, $4  }
0x1c: {  	[tilespmem:s15], [sflag:$0x2] =	stream.linear.gather [hbm4b:s5+s4], $0x1400, $0x38;
	[tilespmem:$0x18A00] =	vst v63  }
0x1d: {  	_ =	swait.ge [sflag:s16], $0x1400  }
0x1e: {  	[sflag:s16] =	ssyncset.done $0x0  }
0x1f: {  	[sflag:s16] =	ssyncadd.s32 $0xFFFFEC00  }
0x20: {  	[tilespmem:s17], [sflag:$0x2] =	stream.linear.gather [hbm4b:s9+s4], $0x28, $0x38;
	[tilespmem:$0x18A00] =	vst v63  }
0x21: {  	p1 =	sne.s32 s7, $0x1;
	_ =	swait.ge [sflag:s16], $0x28  }
.Ltmp3:
0x22: {  	[sflag:s16] =	ssyncset.done $0x0;
	(pc) =	sbr.rel @!p1 .LBB2_4-.Ltmp3, $4  }
0x23: {  	[sflag:s16] =	ssyncadd.s32 $0xFFFFFFD8  }
0x24: {  	[spmem:s3] =	stream.indirect.scatter [tilespmem:s15], [sflag:$0x2], $0x80, s17, s18, $0xb8;
	[tilespmem:$0x18A00] =	vst v63  }
0x25: {  	_ =	swait.ge [sflag:s16], $0x1400  }
0x26: {  	s26 =	sadd.s32 $0xFFFFFFFF, s7;
	s28 =	smov.u32 s9;
	[sflag:s16] =	ssyncset.done $0x0  }
.LBB2_3:
0x27: {  	p1 =	sne.s32 s26, $0x1;
	[sflag:s16] =	ssyncadd.s32 $0xFFFFEC00;
	s28 =	sadd.s32 $0x5, s28  }
0x28: {  	[tilespmem:s17], [sflag:$0x2] =	stream.linear.gather [hbm4b:s28+s4], $0x28, $0x38;
	[tilespmem:$0x18A00] =	vst v63  }
0x29: {  	s26 =	sadd.s32 $0xFFFFFFFF, s26;
	_ =	swait.ge [sflag:s16], $0x28  }
.Ltmp4:
0x2a: {  	[sflag:s16] =	ssyncset.done $0x0;
	(pc) =	sbr.rel @p1 .LBB2_3-.Ltmp4, $4  }
0x2b: {  	[sflag:s16] =	ssyncadd.s32 $0xFFFFFFD8  }
0x2c: {  	[spmem:s3] =	stream.indirect.scatter [tilespmem:s15], [sflag:$0x2], $0x80, s17, s18, $0xb8;
	[tilespmem:$0x18A00] =	vst v63  }
0x2d: {  	_ =	swait.ge [sflag:s16], $0x1400  }
0x2e: {  	[sflag:s16] =	ssyncset.done $0x0  }
.LBB2_4:
0x2f: {  	[sflag:s16] =	ssyncadd.s32 $0xFFFFEC00  }
.LBB2_5:
0x30: {  	[bflag:$0x0] =	sbarrier.arrive $0xFFFF;
	s26 =	sadd.s32 $0x0, s12  }
0x31: {  	[tilespmem:s19], [sflag:$0x2] =	stream.linear.gather [hbm4b:s26+s4], $0x28, $0x38;
	[tilespmem:$0x18A00] =	vst v63  }
0x32: {  	_ =	swait.ge [sflag:s16], $0x28  }
0x33: {  	[sflag:s16] =	ssyncset.done $0x0  }
0x34: {  	s31 =	sadd.s32 $0x0, s10;
	[sflag:s16] =	ssyncadd.s32 $0xFFFFFFD8  }
0x35: {  	[tilespmem:s20], [sflag:$0x2] =	stream.linear.gather [hbm4b:s31+s4], $0x28, $0x38;
	[tilespmem:$0x18A00] =	vst v63  }
0x36: {  	_ =	swait.ge [sflag:s16], $0x28  }
0x37: {  	[sflag:s16] =	ssyncset.done $0x0  }
0x38: {  	[sflag:s16] =	ssyncadd.s32 $0xFFFFFFD8  }
0x39: {  	[tilespmem:s15], [sflag:$0x1] =	stream.indirect.gather [hbm4b:s1+s18], $0x80, s19, s18, $0xb8;
	[tilespmem:$0x18A00] =	vst v63  }
0x3a: {  	_ =	swait.ge [sflag:s21], $0x1400  }
0x3b: {  	[sflag:s21] =	ssyncset.done $0x0  }
0x3c: {  	[sflag:s21] =	ssyncadd.s32 $0xFFFFEC00  }
0x3d: {  	[spmem:s3] =	stream.indirect.scatter.add.f32 [tilespmem:s15], [sflag:$0x2], $0x80, s20, s18, $0xb8;
	[tilespmem:$0x18A00] =	vst v63  }
0x3e: {  	_ =	swait.ge [sflag:s16], $0x1400  }
0x3f: {  	s28 =	simm.s32 $0xA;
	s26 =	simm.s32 $0x5;
	[sflag:s16] =	ssyncset.done $0x0  }
.LBB2_6:
0x40: {  	s29 =	sadd.s32 s26, s12  }
0x41: {  	[sflag:s16] =	ssyncadd.s32 $0xFFFFEC00;
	s30 =	smov.u32 s28;
	s31 =	sadd.s32 $0x5, s28  }
0x42: {  	[tilespmem:s19], [sflag:$0x2] =	stream.linear.gather [hbm4b:s29+s4], $0x28, $0x38;
	[tilespmem:$0x18A00] =	vst v63  }
0x43: {  	p1 =	sne.s32 s28, $0x4DD;
	_ =	swait.ge [sflag:s16], $0x28  }
0x44: {  	[sflag:s16] =	ssyncset.done $0x0  }
0x45: {  	s28 =	sadd.s32 s26, s10;
	s26 =	smov.u32 s30;
	[sflag:s16] =	ssyncadd.s32 $0xFFFFFFD8  }
0x46: {  	[tilespmem:s20], [sflag:$0x2] =	stream.linear.gather [hbm4b:s28+s4], $0x28, $0x38;
	[tilespmem:$0x18A00] =	vst v63  }
0x47: {  	_ =	swait.ge [sflag:s16], $0x28  }
0x48: {  	[sflag:s16] =	ssyncset.done $0x0  }
0x49: {  	[sflag:s16] =	ssyncadd.s32 $0xFFFFFFD8  }
0x4a: {  	[tilespmem:s15], [sflag:$0x1] =	stream.indirect.gather [hbm4b:s1+s18], $0x80, s19, s18, $0xb8;
	[tilespmem:$0x18A00] =	vst v63  }
0x4b: {  	_ =	swait.ge [sflag:s21], $0x1400  }
.Ltmp5:
0x4c: {  	[sflag:s21] =	ssyncset.done $0x0;
	(pc) =	sbr.rel @p1 .LBB2_6-.Ltmp5, $4  }
0x4d: {  	[sflag:s21] =	ssyncadd.s32 $0xFFFFEC00  }
0x4e: {  	[spmem:s3] =	stream.indirect.scatter.add.f32 [tilespmem:s15], [sflag:$0x2], $0x80, s20, s18, $0xb8;
	[tilespmem:$0x18A00] =	vst v63  }
0x4f: {  	_ =	swait.ge [sflag:s16], $0x1400  }
0x50: {  	s28 =	smov.u32 s31;
	[sflag:s16] =	ssyncset.done $0x0  }
0x51: {  	s28 =	sadd.s32 s26, s12;
	[sflag:s16] =	ssyncadd.s32 $0xFFFFEC00  }
0x52: {  	[tilespmem:s19], [sflag:$0x2] =	stream.linear.gather [hbm4b:s28+s4], $0x28, $0x38;
	[tilespmem:$0x18A00] =	vst v63  }
0x53: {  	_ =	swait.ge [sflag:s16], $0x28  }
0x54: {  	[sflag:s16] =	ssyncset.done $0x0  }
0x55: {  	s31 =	sadd.s32 s26, s10;
	[sflag:s16] =	ssyncadd.s32 $0xFFFFFFD8  }
0x56: {  	[tilespmem:s20], [sflag:$0x2] =	stream.linear.gather [hbm4b:s31+s4], $0x28, $0x38;
	[tilespmem:$0x18A00] =	vst v63  }
0x57: {  	_ =	swait.ge [sflag:s16], $0x28  }
0x58: {  	[sflag:s16] =	ssyncset.done $0x0  }
0x59: {  	[sflag:s16] =	ssyncadd.s32 $0xFFFFFFD8  }
0x5a: {  	[tilespmem:s15], [sflag:$0x1] =	stream.indirect.gather [hbm4b:s1+s18], $0x80, s19, s18, $0xb8;
	[tilespmem:$0x18A00] =	vst v63  }
0x5b: {  	_ =	swait.ge [sflag:s21], $0x1400  }
0x5c: {  	[sflag:s21] =	ssyncset.done $0x0  }
0x5d: {  	[sflag:s21] =	ssyncadd.s32 $0xFFFFEC00  }
0x5e: {  	[spmem:s3] =	stream.indirect.scatter.add.f32 [tilespmem:s15], [sflag:$0x2], $0x80, s20, s18, $0xb8;
	[tilespmem:$0x18A00] =	vst v63  }
.Ltmp6:
0x5f: {  	_ =	swait.ge [sflag:s16], $0x1400;
	(pc) =	sbr.rel @p0 .LBB2_13-.Ltmp6, $3  }
0x60: {  	[sflag:s16] =	ssyncset.done $0x0  }
0x61: {  	[sflag:s16] =	ssyncadd.s32 $0xFFFFEC00  }
0x62: {  	[bflag:$0x0] =	sbarrier.arrive $0xFFFF;
	_ =	sdelay $0x1  }
0x63: {  	[tilespmem:s17], [sflag:$0x2] =	stream.linear.gather [hbm4b:s9+s4], $0x28, $0x38;
	[tilespmem:$0x18A00] =	vst v63  }
0x64: {  	_ =	swait.ge [sflag:s16], $0x28  }
0x65: {  	[sflag:s16] =	ssyncset.done $0x0  }
0x66: {  	[sflag:s16] =	ssyncadd.s32 $0xFFFFFFD8  }
0x67: {  	[tilespmem:s15], [sflag:$0x1] =	stream.indirect.gather [spmem:s3], $0x80, s17, s18, $0xb8;
	[tilespmem:$0x18A00] =	vst v63  }
0x68: {  	p1 =	sne.s32 s7, $0x1;
	_ =	swait.ge [sflag:s21], $0x1400  }
.Ltmp7:
0x69: {  	[sflag:s21] =	ssyncset.done $0x0;
	(pc) =	sbr.rel @!p1 .LBB2_10-.Ltmp7, $4  }
0x6a: {  	[sflag:s21] =	ssyncadd.s32 $0xFFFFEC00  }
0x6b: {  	[hbm4b:s11+s4] =	stream.linear.scatter [tilespmem:s15], [sflag:$0x2], $0x1400, $0x38;
	[tilespmem:$0x18A00] =	vst v63  }
0x6c: {  	s26 =	sadd.s32 $0xFFFFFFFF, s7;
	_ =	swait.ge [sflag:s16], $0x1400  }
0x6d: {  	s28 =	smov.u32 s9;
	s29 =	smov.u32 s11;
	[sflag:s16] =	ssyncset.done $0x0  }
.LBB2_9:
0x6e: {  	[sflag:s16] =	ssyncadd.s32 $0xFFFFEC00;
	s28 =	sadd.s32 $0x5, s28;
	s29 =	sadd.s32 $0x280, s29  }
0x6f: {  	[tilespmem:s17], [sflag:$0x2] =	stream.linear.gather [hbm4b:s28+s4], $0x28, $0x38;
	[tilespmem:$0x18A00] =	vst v63  }
0x70: {  	p1 =	sne.s32 s26, $0x1;
	s26 =	sadd.s32 $0xFFFFFFFF, s26;
	_ =	swait.ge [sflag:s16], $0x28  }
0x71: {  	[sflag:s16] =	ssyncset.done $0x0  }
0x72: {  	[sflag:s16] =	ssyncadd.s32 $0xFFFFFFD8  }
0x73: {  	[tilespmem:s15], [sflag:$0x1] =	stream.indirect.gather [spmem:s3], $0x80, s17, s18, $0xb8;
	[tilespmem:$0x18A00] =	vst v63  }
0x74: {  	_ =	swait.ge [sflag:s21], $0x1400  }
.Ltmp8:
0x75: {  	[sflag:s21] =	ssyncset.done $0x0;
	(pc) =	sbr.rel @p1 .LBB2_9-.Ltmp8, $4  }
0x76: {  	[sflag:s21] =	ssyncadd.s32 $0xFFFFEC00  }
0x77: {  	[hbm4b:s29+s4] =	stream.linear.scatter [tilespmem:s15], [sflag:$0x2], $0x1400, $0x38;
	[tilespmem:$0x18A00] =	vst v63  }
0x78: {  	_ =	swait.ge [sflag:s16], $0x1400  }
0x79: {  	[sflag:s16] =	ssyncset.done $0x0  }
.LBB2_10:
0x7a: {  	[sflag:s16] =	ssyncadd.s32 $0xFFFFEC00  }
0x7b: {  	[bflag:$0x0] =	sbarrier.arrive $0xFFFF  }
0x7c: {  	[tilespmem:s22], [sflag:$0x2] =	stream.linear.gather [hbm4b:s5+s4], $0x1400, $0x38;
	[tilespmem:$0x18A00] =	vst v63  }
0x7d: {  	_ =	swait.ge [sflag:s16], $0x1400  }
0x7e: {  	[sflag:s16] =	ssyncset.done $0x0  }
0x7f: {  	[sflag:s16] =	ssyncadd.s32 $0xFFFFEC00  }
0x80: {  	[tilespmem:s17], [sflag:$0x2] =	stream.linear.gather [hbm4b:s9+s4], $0x28, $0x38;
	[tilespmem:$0x18A00] =	vst v63  }
0x81: {  	p1 =	seq.s32 s7, $0x1;
	_ =	swait.ge [sflag:s16], $0x28  }
.Ltmp9:
0x82: {  	[sflag:s16] =	ssyncset.done $0x0;
	(pc) =	sbr.rel @p1 .LBB2_12-.Ltmp9, $4  }
0x83: {  	[sflag:s16] =	ssyncadd.s32 $0xFFFFFFD8  }
0x84: {  	[spmem:s3] =	stream.indirect.scatter [tilespmem:s22], [sflag:$0x2], $0x80, s17, s18, $0xb8;
	[tilespmem:$0x18A00] =	vst v63  }
0x85: {  	_ =	swait.ge [sflag:s16], $0x1400  }
0x86: {  	s26 =	sadd.s32 $0xFFFFFFFF, s7;
	s28 =	smov.u32 s9;
	[sflag:s16] =	ssyncset.done $0x0  }
.LBB2_11:
0x87: {  	p1 =	seq.s32 s26, $0x1;
	[sflag:s16] =	ssyncadd.s32 $0xFFFFEC00;
	s28 =	sadd.s32 $0x5, s28  }
0x88: {  	[tilespmem:s17], [sflag:$0x2] =	stream.linear.gather [hbm4b:s28+s4], $0x28, $0x38;
	[tilespmem:$0x18A00] =	vst v63  }
0x89: {  	s26 =	sadd.s32 $0xFFFFFFFF, s26;
	_ =	swait.ge [sflag:s16], $0x28  }
.Ltmp10:
0x8a: {  	[sflag:s16] =	ssyncset.done $0x0;
	(pc) =	sbr.rel @!p1 .LBB2_11-.Ltmp10, $4  }
0x8b: {  	[sflag:s16] =	ssyncadd.s32 $0xFFFFFFD8  }
0x8c: {  	[spmem:s3] =	stream.indirect.scatter [tilespmem:s22], [sflag:$0x2], $0x80, s17, s18, $0xb8;
	[tilespmem:$0x18A00] =	vst v63  }
0x8d: {  	_ =	swait.ge [sflag:s16], $0x1400  }
0x8e: {  	[sflag:s16] =	ssyncset.done $0x0  }
.LBB2_12:
.Ltmp11:
0x8f: {  	(pc) =	sbr.rel .LBB2_14-.Ltmp11, $2  }
0x90: {  	_ =	sdelay $0x2  }
0x91: {  	[sflag:s16] =	ssyncadd.s32 $0xFFFFEC00  }
.LBB2_13:
0x92: {  	[bflag:$0x0] =	sbarrier.arrive $0xFFFF  }
0x93: {  	[tilespmem:s22], [sflag:$0x2] =	stream.linear.gather [hbm4b:s5+s4], $0x1400, $0x38;
	[tilespmem:$0x18A00] =	vst v63  }
0x94: {  	_ =	swait.ge [sflag:s16], $0x1400  }
0x95: {  	[sflag:s16] =	ssyncset.done $0x0  }
0x96: {  	[sflag:s16] =	ssyncadd.s32 $0xFFFFEC00  }
.LBB2_14:
0x97: {  	s26 =	simm.s32 $0x0  }
0x98: {  	[tilespmem:s23], [sflag:$0x2] =	stream.linear.gather [hbm4b:s6+s26], $0x1400, $0x38;
	[tilespmem:$0x18A00] =	vst v63  }
0x99: {  	_ =	swait.ge [sflag:s16], $0x1400  }
0x9a: {  	[sflag:s16] =	ssyncset.done $0x0  }
0x9b: {  	[sflag:s16] =	ssyncadd.s32 $0xFFFFEC00  }
0x9c: {  	v0 =	vld [tilespmem:$0x17580]  }
0x9d: {  	v1 =	vld [tilespmem:$0x17600]  }
0x9e: {  	v2 =	vld [tilespmem:$0x17680]  }
0x9f: {  	v3 =	vld [tilespmem:$0x17700]  }
0xa0: {  	v4 =	vld [tilespmem:$0x17780]  }
0xa1: {  	v29 =	vld [tilespmem:$0x17800];
	[tilespmem:$0x14D90] =	vst v0  }
0xa2: {  	v30 =	vld [tilespmem:$0x17880];
	[tilespmem:$0x14E10] =	vst v1  }
0xa3: {  	v31 =	vld [tilespmem:$0x17900];
	[tilespmem:$0x14E90] =	vst v2  }
0xa4: {  	v32 =	vld [tilespmem:$0x17980];
	[tilespmem:$0x14F10] =	vst v3  }
0xa5: {  	v33 =	vld [tilespmem:$0x17A00];
	[tilespmem:$0x14F90] =	vst v4  }
0xa6: {  	v34 =	vld [tilespmem:$0x17A80];
	[tilespmem:$0x15010] =	vst v29  }
0xa7: {  	v35 =	vld [tilespmem:$0x17B00];
	[tilespmem:$0x15090] =	vst v30  }
0xa8: {  	v36 =	vld [tilespmem:$0x17B80];
	[tilespmem:$0x15110] =	vst v31  }
0xa9: {  	v37 =	vld [tilespmem:$0x17C00];
	[tilespmem:$0x15190] =	vst v32  }
0xaa: {  	v38 =	vld [tilespmem:$0x17C80];
	[tilespmem:$0x15210] =	vst v33  }
0xab: {  	v39 =	vld [tilespmem:$0x17D00];
	[tilespmem:$0x15290] =	vst v34  }
0xac: {  	v40 =	vld [tilespmem:$0x17D80];
	[tilespmem:$0x15310] =	vst v35  }
0xad: {  	v41 =	vld [tilespmem:$0x17E00];
	[tilespmem:$0x15390] =	vst v36  }
0xae: {  	v42 =	vld [tilespmem:$0x17E80];
	[tilespmem:$0x15410] =	vst v37  }
0xaf: {  	v43 =	vld [tilespmem:$0x17F00];
	[tilespmem:$0x15490] =	vst v38  }
0xb0: {  	v44 =	vld [tilespmem:$0x17F80];
	[tilespmem:$0x15510] =	vst v39  }
0xb1: {  	v45 =	vld [tilespmem:$0x18000];
	[tilespmem:$0x15590] =	vst v40  }
0xb2: {  	v46 =	vld [tilespmem:$0x18080];
	[tilespmem:$0x15610] =	vst v41  }
0xb3: {  	v47 =	vld [tilespmem:$0x18100];
	[tilespmem:$0x15690] =	vst v42  }
0xb4: {  	v48 =	vld [tilespmem:$0x18180];
	[tilespmem:$0x15710] =	vst v43  }
0xb5: {  	v49 =	vld [tilespmem:$0x18200];
	[tilespmem:$0x15790] =	vst v44  }
0xb6: {  	v50 =	vld [tilespmem:$0x18280];
	[tilespmem:$0x15810] =	vst v45  }
0xb7: {  	v51 =	vld [tilespmem:$0x18300];
	[tilespmem:$0x15890] =	vst v46  }
0xb8: {  	v52 =	vld [tilespmem:$0x18380];
	[tilespmem:$0x15910] =	vst v47  }
0xb9: {  	v53 =	vld [tilespmem:$0x18400];
	[tilespmem:$0x15990] =	vst v48  }
0xba: {  	v54 =	vld [tilespmem:$0x18480];
	[tilespmem:$0x15A10] =	vst v49  }
0xbb: {  	v55 =	vld [tilespmem:$0x18500];
	[tilespmem:$0x15A90] =	vst v50  }
0xbc: {  	v56 =	vld [tilespmem:$0x18580];
	[tilespmem:$0x15B10] =	vst v51  }
0xbd: {  	v57 =	vld [tilespmem:$0x18600];
	[tilespmem:$0x15B90] =	vst v52  }
0xbe: {  	v58 =	vld [tilespmem:$0x18680];
	[tilespmem:$0x15C10] =	vst v53  }
0xbf: {  	v59 =	vld [tilespmem:$0x18700];
	[tilespmem:$0x15C90] =	vst v54  }
0xc0: {  	v60 =	vld [tilespmem:$0x18780];
	[tilespmem:$0x15D10] =	vst v55  }
0xc1: {  	v61 =	vld [tilespmem:$0x18800];
	[tilespmem:$0x15D90] =	vst v56  }
0xc2: {  	v62 =	vld [tilespmem:$0x18880];
	[tilespmem:$0x15E10] =	vst v57  }
0xc3: {  	v63 =	vld [tilespmem:$0x18900];
	[tilespmem:$0x15E90] =	vst v58  }
0xc4: {  	[tilespmem:$0x15F10] =	vst v59  }
0xc5: {  	[tilespmem:$0x15F90] =	vst v60  }
0xc6: {  	[tilespmem:$0x16010] =	vst v61  }
0xc7: {  	[tilespmem:$0x16090] =	vst v62  }
0xc8: {  	[tilespmem:$0x16110] =	vst v63  }
0xc9: {  	s28 =	smov.u32 s13;
	[bflag:$0x0] =	sbarrier.arrive $0xFFFF  }
.LBB2_15:
0xca: {  	s29 =	sadd.s32 s26, s10  }
0xcb: {  	[tilespmem:s20], [sflag:$0x2] =	stream.linear.gather [hbm4b:s29+s4], $0x28, $0x38;
	[tilespmem:$0x18A00] =	vst v63  }
0xcc: {  	_ =	swait.ge [sflag:s16], $0x28  }
0xcd: {  	[sflag:s16] =	ssyncset.done $0x0  }
0xce: {  	[sflag:s16] =	ssyncadd.s32 $0xFFFFFFD8  }
0xcf: {  	[tilespmem:s24], [sflag:$0x2] =	stream.linear.gather [hbm4b:s28+s4], $0x1400, $0x38;
	[tilespmem:$0x18A00] =	vst v63  }
0xd0: {  	_ =	swait.ge [sflag:s16], $0x1400  }
0xd1: {  	[sflag:s16] =	ssyncset.done $0x0  }
0xd2: {  	[sflag:s16] =	ssyncadd.s32 $0xFFFFEC00  }
0xd3: {  	v0 =	vld [tilespmem:$0x16180]  }
0xd4: {  	v1 =	vld [tilespmem:$0x16200]  }
0xd5: {  	v2 =	vld [tilespmem:$0x16280]  }
0xd6: {  	v3 =	vld [tilespmem:$0x16300]  }
0xd7: {  	v4 =	vld [tilespmem:$0x16380]  }
0xd8: {  	v29 =	vld [tilespmem:$0x16400];
	[tilespmem:$0x14D80] =	vst v0  }
0xd9: {  	v30 =	vld [tilespmem:$0x16480];
	[tilespmem:$0x14E00] =	vst v1  }
0xda: {  	v31 =	vld [tilespmem:$0x16500];
	[tilespmem:$0x14E80] =	vst v2  }
0xdb: {  	v32 =	vld [tilespmem:$0x16580];
	[tilespmem:$0x14F00] =	vst v3  }
0xdc: {  	v33 =	vld [tilespmem:$0x16600];
	[tilespmem:$0x14F80] =	vst v4  }
0xdd: {  	v34 =	vld [tilespmem:$0x16680];
	[tilespmem:$0x15000] =	vst v29  }
0xde: {  	v35 =	vld [tilespmem:$0x16700];
	[tilespmem:$0x15080] =	vst v30  }
0xdf: {  	v36 =	vld [tilespmem:$0x16780];
	[tilespmem:$0x15100] =	vst v31  }
0xe0: {  	v37 =	vld [tilespmem:$0x16800];
	[tilespmem:$0x15180] =	vst v32  }
0xe1: {  	v38 =	vld [tilespmem:$0x16880];
	[tilespmem:$0x15200] =	vst v33  }
0xe2: {  	v39 =	vld [tilespmem:$0x16900];
	[tilespmem:$0x15280] =	vst v34  }
0xe3: {  	v40 =	vld [tilespmem:$0x16980];
	[tilespmem:$0x15300] =	vst v35  }
0xe4: {  	v41 =	vld [tilespmem:$0x16A00];
	[tilespmem:$0x15380] =	vst v36  }
0xe5: {  	v42 =	vld [tilespmem:$0x16A80];
	[tilespmem:$0x15400] =	vst v37  }
0xe6: {  	v43 =	vld [tilespmem:$0x16B00];
	[tilespmem:$0x15480] =	vst v38  }
0xe7: {  	v44 =	vld [tilespmem:$0x16B80];
	[tilespmem:$0x15500] =	vst v39  }
0xe8: {  	v45 =	vld [tilespmem:$0x16C00];
	[tilespmem:$0x15580] =	vst v40  }
0xe9: {  	v46 =	vld [tilespmem:$0x16C80];
	[tilespmem:$0x15600] =	vst v41  }
0xea: {  	v47 =	vld [tilespmem:$0x16D00];
	[tilespmem:$0x15680] =	vst v42  }
0xeb: {  	v48 =	vld [tilespmem:$0x16D80];
	[tilespmem:$0x15700] =	vst v43  }
0xec: {  	v49 =	vld [tilespmem:$0x16E00];
	[tilespmem:$0x15780] =	vst v44  }
0xed: {  	v50 =	vld [tilespmem:$0x16E80];
	[tilespmem:$0x15800] =	vst v45  }
0xee: {  	v51 =	vld [tilespmem:$0x16F00];
	[tilespmem:$0x15880] =	vst v46  }
0xef: {  	v52 =	vld [tilespmem:$0x16F80];
	[tilespmem:$0x15900] =	vst v47  }
0xf0: {  	v53 =	vld [tilespmem:$0x17000];
	[tilespmem:$0x15980] =	vst v48  }
0xf1: {  	v54 =	vld [tilespmem:$0x17080];
	[tilespmem:$0x15A00] =	vst v49  }
0xf2: {  	v55 =	vld [tilespmem:$0x17100];
	[tilespmem:$0x15A80] =	vst v50  }
0xf3: {  	v56 =	vld [tilespmem:$0x17180];
	[tilespmem:$0x15B00] =	vst v51  }
0xf4: {  	v57 =	vld [tilespmem:$0x17200];
	[tilespmem:$0x15B80] =	vst v52  }
0xf5: {  	v58 =	vld [tilespmem:$0x17280];
	[tilespmem:$0x15C00] =	vst v53  }
0xf6: {  	v59 =	vld [tilespmem:$0x17300];
	[tilespmem:$0x15C80] =	vst v54  }
0xf7: {  	v60 =	vld [tilespmem:$0x17380];
	[tilespmem:$0x15D00] =	vst v55  }
0xf8: {  	v61 =	vld [tilespmem:$0x17400];
	[tilespmem:$0x15D80] =	vst v56  }
0xf9: {  	v62 =	vld [tilespmem:$0x17480];
	[tilespmem:$0x15E00] =	vst v57  }
0xfa: {  	v63 =	vld [tilespmem:$0x17500];
	[tilespmem:$0x15E80] =	vst v58  }
0xfb: {  	[tilespmem:$0x15F00] =	vst v59  }
0xfc: {  	[tilespmem:$0x15F80] =	vst v60  }
0xfd: {  	[tilespmem:$0x16000] =	vst v61  }
0xfe: {  	p1 =	sne.s32 s26, $0x4DD;
	[tilespmem:$0x16080] =	vst v62  }
.Ltmp12:
0xff: {  	[tilespmem:$0x16100] =	vst v63;
	(pc) =	sbr.rel @p1 .LBB2_15-.Ltmp12, $4  }
0x100: {  	[spmem:s3] =	stream.indirect.scatter.add.f32 [tilespmem:s22], [sflag:$0x2], $0x80, s20, s18, $0xb8;
	[tilespmem:$0x18A00] =	vst v63  }
0x101: {  	_ =	swait.ge [sflag:s16], $0x1400  }
0x102: {  	[sflag:s16] =	ssyncset.done $0x0  }
0x103: {  	s26 =	sadd.s32 $0x5, s26;
	s28 =	sadd.s32 $0x280, s28;
	[sflag:s16] =	ssyncadd.s32 $0xFFFFEC00  }
.Ltmp13:
0x104: {  	(pc) =	sbr.rel @p0 .LBB2_20-.Ltmp13, $2  }
0x105: {  	_ =	sdelay $0x1  }
0x106: {  	[bflag:$0x0] =	sbarrier.arrive $0xFFFF;
	_ =	sdelay $0x1  }
0x107: {  	[tilespmem:s17], [sflag:$0x2] =	stream.linear.gather [hbm4b:s9+s4], $0x28, $0x38;
	[tilespmem:$0x18A00] =	vst v63  }
0x108: {  	_ =	swait.ge [sflag:s16], $0x28  }
0x109: {  	[sflag:s16] =	ssyncset.done $0x0  }
0x10a: {  	[sflag:s16] =	ssyncadd.s32 $0xFFFFFFD8  }
0x10b: {  	[tilespmem:s22], [sflag:$0x1] =	stream.indirect.gather [spmem:s3], $0x80, s17, s18, $0xb8;
	[tilespmem:$0x18A00] =	vst v63  }
0x10c: {  	p1 =	sne.s32 s7, $0x1;
	_ =	swait.ge [sflag:s21], $0x1400  }
.Ltmp14:
0x10d: {  	[sflag:s21] =	ssyncset.done $0x0;
	(pc) =	sbr.rel @!p1 .LBB2_19-.Ltmp14, $4  }
0x10e: {  	[sflag:s21] =	ssyncadd.s32 $0xFFFFEC00  }
0x10f: {  	[hbm4b:s14+s4] =	stream.linear.scatter [tilespmem:s22], [sflag:$0x2], $0x1400, $0x38;
	[tilespmem:$0x18A00] =	vst v63  }
0x110: {  	s26 =	sadd.s32 $0xFFFFFFFF, s7;
	_ =	swait.ge [sflag:s16], $0x1400  }
0x111: {  	s28 =	smov.u32 s9;
	s29 =	smov.u32 s14;
	[sflag:s16] =	ssyncset.done $0x0  }
.LBB2_18:
0x112: {  	[sflag:s16] =	ssyncadd.s32 $0xFFFFEC00;
	s28 =	sadd.s32 $0x5, s28;
	s29 =	sadd.s32 $0x280, s29  }
0x113: {  	[tilespmem:s17], [sflag:$0x2] =	stream.linear.gather [hbm4b:s28+s4], $0x28, $0x38;
	[tilespmem:$0x18A00] =	vst v63  }
0x114: {  	p1 =	sne.s32 s26, $0x1;
	s26 =	sadd.s32 $0xFFFFFFFF, s26;
	_ =	swait.ge [sflag:s16], $0x28  }
0x115: {  	[sflag:s16] =	ssyncset.done $0x0  }
0x116: {  	[sflag:s16] =	ssyncadd.s32 $0xFFFFFFD8  }
0x117: {  	[tilespmem:s22], [sflag:$0x1] =	stream.indirect.gather [spmem:s3], $0x80, s17, s18, $0xb8;
	[tilespmem:$0x18A00] =	vst v63  }
0x118: {  	_ =	swait.ge [sflag:s21], $0x1400  }
.Ltmp15:
0x119: {  	[sflag:s21] =	ssyncset.done $0x0;
	(pc) =	sbr.rel @p1 .LBB2_18-.Ltmp15, $4  }
0x11a: {  	[sflag:s21] =	ssyncadd.s32 $0xFFFFEC00  }
0x11b: {  	[hbm4b:s29+s4] =	stream.linear.scatter [tilespmem:s22], [sflag:$0x2], $0x1400, $0x38;
	[tilespmem:$0x18A00] =	vst v63  }
0x11c: {  	_ =	swait.ge [sflag:s16], $0x1400  }
0x11d: {  	[sflag:s16] =	ssyncset.done $0x0  }
.Ltmp16:
0x11e: {  	_ = 	snop;
	(pc) =	sbr.rel .LBB2_19-.Ltmp16, $1  }
0x11f: {  	_ =	sdelay $0x3  }
.LBB2_21:
0x120: {  	_ =	sfence.sel $0x180000  }
0x121: {  	[bflag:$0x0] =	sbarrier.arrive $0xFFFF  }
0x122: {  	p0 =	sne.s32 s0, $0x0;
	_ =	strace $0x90000047  }
0x123: {  	s0 =	sadd.s32 @!p0 $0x100000, s2;
	[bflag:$0x2] =	sbarrier.arrive $0xFFFF  }
0x124: {  	[sflag:s0] =	ssyncadd.tile.s32 @!p0 $0x1;
	_ =	shalt  }
.Lfunc_end2:
_tile_overlayer_lowered:
.L_overlay_start_2:
0x125: {  	(tag) =	ssettag $0x2  }
0x126: {  	s0 =	rddreg [dreg:$0x0];
	s2 =	stileid.u32  }
0x127: {  	s1 =	rddreg [dreg:$0x1];
	p0 =	sne.s32 s2, $0x0  }
0x128: {  	s3 =	rddreg [dreg:$0x2];
	[bflag:$0x3] =	sbarrier.arrive $0xFFFF;
	s2 =	simm.s32 @!p0 $0x1C02  }
0x129: {  	[timem:s3], [sflag:s2] =	dma.local @!p0 [hbm:s0], s1  }
0x12a: {  	s0 =	simm.s32 @!p0 $0x2  }
0x12b: {  	_ =	swait.ge @!p0 [sflag:s0], s1  }
0x12c: {  	s1 =	ssub.s32 @!p0 $0x0, s1;
	[sflag:s0] =	ssyncset.done @!p0 $0x0  }
0x12d: {  	[sflag:s0] =	ssyncadd.s32 @!p0 s1  }
0x12e: {  	[bflag:$0x3] =	sbarrier.arrive $0xFFFF  }
0x12f: {  	_ =	shalt  }

</sc_bundles>
